<compile_context>
chip_gen: v7x
topology: tpu7x:2x2x1
jax: 0.10.2.dev20260603
libtpu: 0.0.44.dev20260713+nightly
codegen_flags: <defaults>
</compile_context>

<pallas_src>
import functools

import jax
import jax.numpy as jnp
from jax import lax
from jax.experimental import pallas as pl
from jax.experimental.pallas import tpu as pltpu
from jax.experimental.pallas import tpu_sc as plsc

N_NODES = 10000
D_FEAT = 128
N_EDGES = 320000
HIDDEN = 16

NUM_WORKERS = 32
CHUNK = N_EDGES // NUM_WORKERS
LANES = 16
UNROLL = 12

TAB_N = 10240
NODES_PER_BLK = 5120
GRID = TAB_N // NODES_PER_BLK


def _node_scalars_body(x_ref, wnb_ref, bnb_ref, wself_ref, bself_ref,
                       watt_ref, batt_ref, snb_ref, sself_ref):
    xv = x_ref[...]
    h1 = jnp.maximum(
        lax.dot_general(xv, wnb_ref[...], (((1,), (1,)), ((), ())),
                        preferred_element_type=jnp.float32)
        + bnb_ref[...], 0.0)
    h2 = jnp.maximum(
        lax.dot_general(xv, wself_ref[...], (((1,), (1,)), ((), ())),
                        preferred_element_type=jnp.float32)
        + bself_ref[...], 0.0)
    wa = watt_ref[...]
    wa1 = wa[0:HIDDEN].reshape(1, HIDDEN)
    wa2 = wa[HIDDEN:].reshape(1, HIDDEN)

    def rows(h, wa_row):
        s = lax.dot_general(wa_row, h, (((1,), (1,)), ((), ())),
                            preferred_element_type=jnp.float32)
        return s.reshape(NODES_PER_BLK)

    snb_ref[...] = rows(h1, wa1) + batt_ref[0]
    sself_ref[...] = rows(h2, wa2)


def _node_scalars(x, W_nb, b_nb, W_self, b_self, W_att, b_att):
    return pl.pallas_call(
        _node_scalars_body,
        grid=(GRID,),
        in_specs=[
            pl.BlockSpec((NODES_PER_BLK, D_FEAT), lambda i: (i, 0)),
            pl.BlockSpec((HIDDEN, D_FEAT), lambda i: (0, 0)),
            pl.BlockSpec((HIDDEN,), lambda i: (0,)),
            pl.BlockSpec((HIDDEN, D_FEAT), lambda i: (0, 0)),
            pl.BlockSpec((HIDDEN,), lambda i: (0,)),
            pl.BlockSpec((2 * HIDDEN,), lambda i: (0,)),
            pl.BlockSpec((1,), lambda i: (0,)),
        ],
        out_specs=[
            pl.BlockSpec((NODES_PER_BLK,), lambda i: (i,)),
            pl.BlockSpec((NODES_PER_BLK,), lambda i: (i,)),
        ],
        out_shape=[
            jax.ShapeDtypeStruct((TAB_N,), jnp.float32),
            jax.ShapeDtypeStruct((TAB_N,), jnp.float32),
        ],
    )(x, W_nb.T, b_nb, W_self.T, b_self, W_att.reshape(2 * HIDDEN), b_att)


ETILE = 128
N_ETILES = N_EDGES // ETILE
TPW = N_ETILES // NUM_WORKERS
MAIN = TPW * ETILE
TAIL_T0 = TPW * NUM_WORKERS
N_TAIL = N_ETILES - TAIL_T0


HALF = MAIN // 2


def _edge_gate_body(snb_hbm, sself_hbm, edge_hbm,
                    mask_hbm, psum_hbm,
                    snb_v, sself_v, e0_v, e1_v, et_v, mask_v, mt_v, acc_v,
                    sem_t, sem_a, sem_b, sem_c):
    wid = lax.axis_index("s") * 2 + lax.axis_index("c")
    base = wid * MAIN
    c1 = pltpu.async_copy(snb_hbm, snb_v, sem_t)
    c2 = pltpu.async_copy(sself_hbm, sself_v, sem_t)
    c3a = pltpu.async_copy(edge_hbm.at[:, pl.ds(base, HALF)], e0_v, sem_a)
    c3b = pltpu.async_copy(edge_hbm.at[:, pl.ds(base + HALF, HALF)], e1_v,
                           sem_b)
    c4 = pltpu.async_copy(
        edge_hbm.at[:, pl.ds((TAIL_T0 + wid % N_TAIL) * ETILE, ETILE)],
        et_v, sem_c)
    c1.wait()
    c2.wait()
    c3a.wait()

    def gate(idx_r, idx_c):
        s1 = plsc.load_gather(snb_v, [idx_r])
        s2 = plsc.load_gather(sself_v, [idx_c])
        la = s1 + s2
        return jnp.minimum(1.01 / (1.0 + jnp.exp(-la)), 1.0)

    @plsc.parallel_loop(0, HALF, LANES, unroll=UNROLL,
                        carry=jnp.zeros((LANES,), jnp.float32))
    def acc0(off, acc_in):
        m = gate(e0_v[0, pl.ds(off, LANES)], e0_v[1, pl.ds(off, LANES)])
        mask_v[pl.ds(off, LANES)] = m
        return acc_in + m

    c3b.wait()

    @plsc.parallel_loop(0, HALF, LANES, unroll=UNROLL, carry=acc0)
    def acc(off, acc_in):
        m = gate(e1_v[0, pl.ds(off, LANES)], e1_v[1, pl.ds(off, LANES)])
        mask_v[pl.ds(HALF + off, LANES)] = m
        return acc_in + m

    pltpu.sync_copy(mask_v, mask_hbm.at[0, pl.ds(base, MAIN)])
    c4.wait()

    @pl.when(wid < N_TAIL)
    def _tail():
        @plsc.parallel_loop(0, ETILE, LANES, unroll=ETILE // LANES,
                            carry=acc)
        def acc2(off, acc_in):
            m = gate(et_v[0, pl.ds(off, LANES)], et_v[1, pl.ds(off, LANES)])
            mt_v[pl.ds(off, LANES)] = m
            return acc_in + m

        acc_v[...] = acc2
        pltpu.sync_copy(
            mt_v, mask_hbm.at[0, pl.ds((TAIL_T0 + wid) * ETILE, ETILE)])

    @pl.when(wid >= N_TAIL)
    def _no_tail():
        acc_v[...] = acc

    pltpu.sync_copy(acc_v, psum_hbm.at[wid])


def _edge_gate(s_nb, s_self, edge_index):
    mesh = plsc.VectorSubcoreMesh(core_axis_name="c", subcore_axis_name="s")
    fn = functools.partial(
        pl.kernel,
        mesh=mesh,
        compiler_params=pltpu.CompilerParams(needs_layout_passes=False),
        out_type=[
            jax.ShapeDtypeStruct((1, N_EDGES), jnp.float32),
            jax.ShapeDtypeStruct((NUM_WORKERS, LANES), jnp.float32),
        ],
        scratch_types=[
            pltpu.VMEM((TAB_N,), jnp.float32),
            pltpu.VMEM((TAB_N,), jnp.float32),
            pltpu.VMEM((2, HALF), jnp.int32),
            pltpu.VMEM((2, HALF), jnp.int32),
            pltpu.VMEM((2, ETILE), jnp.int32),
            pltpu.VMEM((MAIN,), jnp.float32),
            pltpu.VMEM((ETILE,), jnp.float32),
            pltpu.VMEM((LANES,), jnp.float32),
            pltpu.SemaphoreType.DMA,
            pltpu.SemaphoreType.DMA,
            pltpu.SemaphoreType.DMA,
            pltpu.SemaphoreType.DMA,
        ],
    )(_edge_gate_body)
    return fn(s_nb, s_self, edge_index)


def _sum_body(p_ref, out_ref):
    out_ref[...] = jnp.sum(p_ref[...]).reshape(1, 1)


def _sum_partials(partials):
    return pl.pallas_call(
        _sum_body,
        out_shape=jax.ShapeDtypeStruct((1, 1), jnp.float32),
    )(partials)


def kernel(x, edge_index, W_nb, b_nb, W_self, b_self, W_att, b_att):
    s_nb, s_self = _node_scalars(x, W_nb, b_nb, W_self, b_self, W_att, b_att)
    mask_flat, partials = _edge_gate(s_nb, s_self,
                                     edge_index.astype(jnp.int32))
    mask_sum = _sum_partials(partials).reshape(())
    return mask_flat.reshape(N_EDGES, 1), mask_sum

# --- scband reference (transcript-rebuilt; emitter-appended) ---
"""Pipeline reference for scband-attention-model-19868518711372 (READ-ONLY COPY).

The authoritative reference and input builder live on the scoring server;
editing this copy changes nothing except your own understanding.
"""

import jax, jax.numpy as jnp
import numpy as np

N_NODES = 10000
D_FEAT = 128
N_EDGES = 320000
HIDDEN = 16


def setup_inputs(seed: int = 0) -> dict:
    key = jax.random.key(seed)
    ks = jax.random.split(key, 8)
    x = jax.random.normal(ks[0], (N_NODES, D_FEAT), dtype=jnp.float32)
    edge_index = jax.random.randint(ks[1], (2, N_EDGES), 0, N_NODES)
    # He-normal initialized dense layer params (nb_layer, selflayer: D_FEAT->16; attention: 32->1)
    W_nb = jax.random.normal(ks[2], (D_FEAT, HIDDEN), dtype=jnp.float32) * np.sqrt(2.0 / D_FEAT)
    b_nb = jnp.zeros((HIDDEN,), dtype=jnp.float32)
    W_self = jax.random.normal(ks[3], (D_FEAT, HIDDEN), dtype=jnp.float32) * np.sqrt(2.0 / D_FEAT)
    b_self = jnp.zeros((HIDDEN,), dtype=jnp.float32)
    W_att = jax.random.normal(ks[4], (2 * HIDDEN, 1), dtype=jnp.float32) * np.sqrt(2.0 / (2 * HIDDEN))
    b_att = jnp.zeros((1,), dtype=jnp.float32)
    return {"x": x, "edge_index": edge_index, "W_nb": W_nb, "b_nb": b_nb,
            "W_self": W_self, "b_self": b_self, "W_att": W_att, "b_att": b_att}


def reference(x, edge_index, W_nb, b_nb, W_self, b_self, W_att, b_att):
    # Faithful eval-mode (training=False) translation of AttentionModel.call:
    # gather endpoint features, get_attention MLP, hard_concrete_sample (deterministic path).
    row = edge_index[0]
    col = edge_index[1]
    f1 = jnp.take(x, row, axis=0)   # [E, D]
    f2 = jnp.take(x, col, axis=0)   # [E, D]
    h1 = jax.nn.relu(f1 @ W_nb + b_nb)      # nb_layer
    h2 = jax.nn.relu(f2 @ W_self + b_self)  # selflayer
    cat = jnp.concatenate([h1, h2], axis=1)  # [E, 32]
    log_alpha = cat @ W_att + b_att          # attention dense (identity activation)
    # hard_concrete_sample with training=False: sigmoid -> stretch by (zeta-gamma) -> clip
    gamma = -0.0
    zeta = 1.01
    gate = jax.nn.sigmoid(log_alpha)
    stretched = gate * (zeta - gamma) + gamma
    mask = jnp.clip(stretched, 0.0, 1.0)
    mask_sum = jnp.sum(mask)
    return mask, mask_sum

if __name__ == "__main__":
    import jax
    _d = setup_inputs()
    print(jax.jit(kernel)(*tuple(_d.values())))

</pallas_src>

<mosaic_0001>
#map = affine_map<(d0, d1) -> (0)>
#map1 = affine_map<(d0, d1) -> (0, 0)>
module attributes {stable_mosaic.version = 14 : i64} {
  func.func @_edge_gate_body(%arg0: i32, %arg1: i32, %arg2: memref<10240xf32, #tpu.memory_space<hbm>>, %arg3: memref<10240xf32, #tpu.memory_space<hbm>>, %arg4: memref<2x320000xi32, #tpu.memory_space<hbm>>, %arg5: memref<1x320000xf32, #tpu.memory_space<hbm>>, %arg6: memref<32x16xf32, #tpu.memory_space<hbm>>, %arg7: memref<10240xf32, #tpu.memory_space<vmem>>, %arg8: memref<10240xf32, #tpu.memory_space<vmem>>, %arg9: memref<2x4992xi32, #tpu.memory_space<vmem>>, %arg10: memref<2x4992xi32, #tpu.memory_space<vmem>>, %arg11: memref<2x128xi32, #tpu.memory_space<vmem>>, %arg12: memref<9984xf32, #tpu.memory_space<vmem>>, %arg13: memref<128xf32, #tpu.memory_space<vmem>>, %arg14: memref<16xf32, #tpu.memory_space<vmem>>, %arg15: memref<!tpu.dma_semaphore, #tpu.memory_space<semaphore_mem>>, %arg16: memref<!tpu.dma_semaphore, #tpu.memory_space<semaphore_mem>>, %arg17: memref<!tpu.dma_semaphore, #tpu.memory_space<semaphore_mem>>, %arg18: memref<!tpu.dma_semaphore, #tpu.memory_space<semaphore_mem>>) attributes {dimension_semantics = [#tpu.dimension_semantics<core_parallel>, #tpu.dimension_semantics<subcore_parallel>], iteration_bounds = array<i64: 2, 16>, scalar_prefetch = 0 : i64, scratch_operands = 12 : i64, tpu.core_type = #tpu.core_type<sc_vector_subcore>, window_params = [{transform_indices = #map}, {transform_indices = #map}, {transform_indices = #map1}, {transform_indices = #map1}, {transform_indices = #map1}]} {
    %mul3A = arith.constant 2 : i32
    %mul3A_0 = arith.muli %arg1, %mul3A : i32
    %add3A = arith.addi %mul3A_0, %arg0 : i32
    %mul3A_1 = arith.constant 9984 : i32
    %mul3A_2 = arith.muli %add3A, %mul3A_1 : i32
    tpu.enqueue_dma source(%arg2 : memref<10240xf32, #tpu.memory_space<hbm>>) target(%arg7 : memref<10240xf32, #tpu.memory_space<vmem>>) target_semaphore(%arg15 : memref<!tpu.dma_semaphore, #tpu.memory_space<semaphore_mem>>)
    tpu.enqueue_dma source(%arg3 : memref<10240xf32, #tpu.memory_space<hbm>>) target(%arg8 : memref<10240xf32, #tpu.memory_space<vmem>>) target_semaphore(%arg15 : memref<!tpu.dma_semaphore, #tpu.memory_space<semaphore_mem>>)
    %dma_start3A = arith.constant 0 : i32
    %dma_start3A_3 = tpu.memref_slice %arg4[%dma_start3A, %mul3A_2] : memref<2x320000xi32, #tpu.memory_space<hbm>> -> memref<2x4992xi32, #tpu.memory_space<hbm>>
    %dma_start3A_4 = arith.constant 0 : i32
    %dma_start3A_5 = tpu.memref_slice %arg4[%dma_start3A_4, %mul3A_2] : memref<2x320000xi32, #tpu.memory_space<hbm>> -> memref<2x4992xi32, #tpu.memory_space<hbm>>
    tpu.enqueue_dma source(%dma_start3A_5 : memref<2x4992xi32, #tpu.memory_space<hbm>>) target(%arg9 : memref<2x4992xi32, #tpu.memory_space<vmem>>) target_semaphore(%arg16 : memref<!tpu.dma_semaphore, #tpu.memory_space<semaphore_mem>>)
    %add3A_6 = arith.constant 4992 : i32
    %add3A_7 = arith.addi %mul3A_2, %add3A_6 : i32
    %dma_start3A_8 = arith.constant 0 : i32
    %dma_start3A_9 = tpu.memref_slice %arg4[%dma_start3A_8, %add3A_7] : memref<2x320000xi32, #tpu.memory_space<hbm>> -> memref<2x4992xi32, #tpu.memory_space<hbm>>
    %dma_start3A_10 = arith.constant 0 : i32
    %dma_start3A_11 = tpu.memref_slice %arg4[%dma_start3A_10, %add3A_7] : memref<2x320000xi32, #tpu.memory_space<hbm>> -> memref<2x4992xi32, #tpu.memory_space<hbm>>
    tpu.enqueue_dma source(%dma_start3A_11 : memref<2x4992xi32, #tpu.memory_space<hbm>>) target(%arg10 : memref<2x4992xi32, #tpu.memory_space<vmem>>) target_semaphore(%arg17 : memref<!tpu.dma_semaphore, #tpu.memory_space<semaphore_mem>>)
    %jit3A = arith.constant 4 : i32
    %eq3A = arith.constant 0 : i32
    %eq3A_12 = arith.cmpi eq, %jit3A, %eq3A : i32
    %jit3A_13 = arith.constant 1 : i32
    %select_n3A = arith.select %eq3A_12, %jit3A_13, %jit3A : i32
    %rem3A = arith.remsi %add3A, %select_n3A : i32
    %ne3A = arith.constant 0 : i32
    %ne3A_14 = arith.cmpi ne, %rem3A, %ne3A : i32
    %lt3A = arith.constant 0 : i32
    %lt3A_15 = arith.cmpi slt, %rem3A, %lt3A : i32
    %lt3A_16 = arith.constant 0 : i32
    %lt3A_17 = arith.cmpi slt, %select_n3A, %lt3A_16 : i32
    %ne3A_18 = arith.xori %lt3A_15, %lt3A_17 : i1
    %and3A = arith.andi %ne3A_18, %ne3A_14 : i1
    %add3A_19 = arith.addi %rem3A, %select_n3A : i32
    %select_n3A_20 = arith.select %and3A, %add3A_19, %rem3A : i32
    %add3A_21 = arith.constant 2496 : i32
    %add3A_22 = arith.addi %add3A_21, %select_n3A_20 : i32
    %mul3A_23 = arith.constant 128 : i32
    %mul3A_24 = arith.muli %add3A_22, %mul3A_23 : i32
    %dma_start3A_25 = arith.constant 0 : i32
    %dma_start3A_26 = tpu.memref_slice %arg4[%dma_start3A_25, %mul3A_24] : memref<2x320000xi32, #tpu.memory_space<hbm>> -> memref<2x128xi32, #tpu.memory_space<hbm>>
    %dma_start3A_27 = arith.constant 0 : i32
    %dma_start3A_28 = tpu.memref_slice %arg4[%dma_start3A_27, %mul3A_24] : memref<2x320000xi32, #tpu.memory_space<hbm>> -> memref<2x128xi32, #tpu.memory_space<hbm>>
    tpu.enqueue_dma source(%dma_start3A_28 : memref<2x128xi32, #tpu.memory_space<hbm>>) target(%arg11 : memref<2x128xi32, #tpu.memory_space<vmem>>) target_semaphore(%arg18 : memref<!tpu.dma_semaphore, #tpu.memory_space<semaphore_mem>>)
    tpu.wait_dma2 semaphore(%arg15 : memref<!tpu.dma_semaphore, #tpu.memory_space<semaphore_mem>>) src(%arg2 : memref<10240xf32, #tpu.memory_space<hbm>>) dst(%arg7 : memref<10240xf32, #tpu.memory_space<vmem>>)
    tpu.wait_dma2 semaphore(%arg15 : memref<!tpu.dma_semaphore, #tpu.memory_space<semaphore_mem>>) src(%arg3 : memref<10240xf32, #tpu.memory_space<hbm>>) dst(%arg8 : memref<10240xf32, #tpu.memory_space<vmem>>)
    %dma_wait3A = arith.constant 0 : i32
    %dma_wait3A_29 = tpu.memref_slice %arg4[%dma_wait3A, %mul3A_2] : memref<2x320000xi32, #tpu.memory_space<hbm>> -> memref<2x4992xi32, #tpu.memory_space<hbm>>
    %dma_wait3A_30 = arith.constant 0 : i32
    %dma_wait3A_31 = tpu.memref_slice %arg4[%dma_wait3A_30, %mul3A_2] : memref<2x320000xi32, #tpu.memory_space<hbm>> -> memref<2x4992xi32, #tpu.memory_space<hbm>>
    tpu.wait_dma2 semaphore(%arg16 : memref<!tpu.dma_semaphore, #tpu.memory_space<semaphore_mem>>) src(%dma_wait3A_31 : memref<2x4992xi32, #tpu.memory_space<hbm>>) dst(%arg9 : memref<2x4992xi32, #tpu.memory_space<vmem>>)
    %broadcast_in_dim3A = arith.constant 0.000000e+00 : f32
    %broadcast_in_dim3A_32 = vector.broadcast %broadcast_in_dim3A : f32 to vector<16xf32>
    %parallel_loop3A = arith.constant 0 : i32
    %parallel_loop3A_33 = arith.constant 4992 : i32
    %parallel_loop3A_34 = arith.constant 16 : i32
    %parallel_loop3A_35 = scf.for %parallel_loop3A_55 = %parallel_loop3A to %parallel_loop3A_33 step %parallel_loop3A_34 iter_args(%parallel_loop3A_56 = %broadcast_in_dim3A_32) -> (vector<16xf32>)  : i32 {
      %parallel_loop3A_57 = arith.constant 0 : i32
      %parallel_loop3A_58 = arith.index_cast %parallel_loop3A_57 : i32 to index
      %parallel_loop3A_59 = arith.index_cast %parallel_loop3A_55 : i32 to index
      %parallel_loop3A_60 = tpu.vector_load %arg9[%parallel_loop3A_58, %parallel_loop3A_59] {strides = array<i32>} : memref<2x4992xi32, #tpu.memory_space<vmem>>, vector<16xi32>,
      %parallel_loop3A_61 = arith.constant 1 : i32
      %parallel_loop3A_62 = arith.index_cast %parallel_loop3A_61 : i32 to index
      %parallel_loop3A_63 = arith.index_cast %parallel_loop3A_55 : i32 to index
      %parallel_loop3A_64 = tpu.vector_load %arg9[%parallel_loop3A_62, %parallel_loop3A_63] {strides = array<i32>} : memref<2x4992xi32, #tpu.memory_space<vmem>>, vector<16xi32>,
      %parallel_loop3A_65 = tpu.vector_load_idx %arg7[%parallel_loop3A_60] : memref<10240xf32, #tpu.memory_space<vmem>>[vector<16xi32>], vector<16xf32>,
      %parallel_loop3A_66 = tpu.vector_load_idx %arg8[%parallel_loop3A_64] : memref<10240xf32, #tpu.memory_space<vmem>>[vector<16xi32>], vector<16xf32>,
      %parallel_loop3A_67 = arith.addf %parallel_loop3A_65, %parallel_loop3A_66 : vector<16xf32>
      %parallel_loop3A_68 = arith.constant 0.000000e+00 : f32
      %parallel_loop3A_69 = vector.broadcast %parallel_loop3A_68 : f32 to vector<16xf32>
      %parallel_loop3A_70 = arith.subf %parallel_loop3A_69, %parallel_loop3A_67 : vector<16xf32>
      %parallel_loop3A_71 = math.exp %parallel_loop3A_70 : vector<16xf32>
      %parallel_loop3A_72 = arith.constant 1.000000e+00 : f32
      %parallel_loop3A_73 = vector.broadcast %parallel_loop3A_72 : f32 to vector<16xf32>
      %parallel_loop3A_74 = arith.addf %parallel_loop3A_73, %parallel_loop3A_71 : vector<16xf32>
      %parallel_loop3A_75 = arith.constant 1.010000e+00 : f32
      %parallel_loop3A_76 = vector.broadcast %parallel_loop3A_75 : f32 to vector<16xf32>
      %parallel_loop3A_77 = arith.divf %parallel_loop3A_76, %parallel_loop3A_74 : vector<16xf32>
      %parallel_loop3A_78 = arith.constant 1.000000e+00 : f32
      %parallel_loop3A_79 = vector.broadcast %parallel_loop3A_78 : f32 to vector<16xf32>
      %parallel_loop3A_80 = arith.minimumf %parallel_loop3A_77, %parallel_loop3A_79 : vector<16xf32>
      %parallel_loop3A_81 = arith.index_cast %parallel_loop3A_55 : i32 to index
      %parallel_loop3A_82 = tpu.vector_load %arg12[%parallel_loop3A_81] {strides = array<i32>} : memref<9984xf32, #tpu.memory_space<vmem>>, vector<16xf32>,
      tpu.vector_store %arg12[%parallel_loop3A_81], %parallel_loop3A_80 {strides = array<i32>} : memref<9984xf32, #tpu.memory_space<vmem>>, vector<16xf32>,
      %parallel_loop3A_83 = arith.addf %parallel_loop3A_56, %parallel_loop3A_80 : vector<16xf32>
      scf.yield %parallel_loop3A_83 : vector<16xf32>
    } {sc.loop_unroll_factor = 12 : i64, sc.parallel_access}
    %dma_wait3A_36 = arith.constant 0 : i32
    %dma_wait3A_37 = tpu.memref_slice %arg4[%dma_wait3A_36, %add3A_7] : memref<2x320000xi32, #tpu.memory_space<hbm>> -> memref<2x4992xi32, #tpu.memory_space<hbm>>
    %dma_wait3A_38 = arith.constant 0 : i32
    %dma_wait3A_39 = tpu.memref_slice %arg4[%dma_wait3A_38, %add3A_7] : memref<2x320000xi32, #tpu.memory_space<hbm>> -> memref<2x4992xi32, #tpu.memory_space<hbm>>
    tpu.wait_dma2 semaphore(%arg17 : memref<!tpu.dma_semaphore, #tpu.memory_space<semaphore_mem>>) src(%dma_wait3A_39 : memref<2x4992xi32, #tpu.memory_space<hbm>>) dst(%arg10 : memref<2x4992xi32, #tpu.memory_space<vmem>>)
    %parallel_loop3A_40 = arith.constant 0 : i32
    %parallel_loop3A_41 = arith.constant 4992 : i32
    %parallel_loop3A_42 = arith.constant 16 : i32
    %parallel_loop3A_43 = scf.for %parallel_loop3A_55 = %parallel_loop3A_40 to %parallel_loop3A_41 step %parallel_loop3A_42 iter_args(%parallel_loop3A_56 = %parallel_loop3A_35) -> (vector<16xf32>)  : i32 {
      %parallel_loop3A_57 = arith.constant 0 : i32
      %parallel_loop3A_58 = arith.index_cast %parallel_loop3A_57 : i32 to index
      %parallel_loop3A_59 = arith.index_cast %parallel_loop3A_55 : i32 to index
      %parallel_loop3A_60 = tpu.vector_load %arg10[%parallel_loop3A_58, %parallel_loop3A_59] {strides = array<i32>} : memref<2x4992xi32, #tpu.memory_space<vmem>>, vector<16xi32>,
      %parallel_loop3A_61 = arith.constant 1 : i32
      %parallel_loop3A_62 = arith.index_cast %parallel_loop3A_61 : i32 to index
      %parallel_loop3A_63 = arith.index_cast %parallel_loop3A_55 : i32 to index
      %parallel_loop3A_64 = tpu.vector_load %arg10[%parallel_loop3A_62, %parallel_loop3A_63] {strides = array<i32>} : memref<2x4992xi32, #tpu.memory_space<vmem>>, vector<16xi32>,
      %parallel_loop3A_65 = tpu.vector_load_idx %arg7[%parallel_loop3A_60] : memref<10240xf32, #tpu.memory_space<vmem>>[vector<16xi32>], vector<16xf32>,
      %parallel_loop3A_66 = tpu.vector_load_idx %arg8[%parallel_loop3A_64] : memref<10240xf32, #tpu.memory_space<vmem>>[vector<16xi32>], vector<16xf32>,
      %parallel_loop3A_67 = arith.addf %parallel_loop3A_65, %parallel_loop3A_66 : vector<16xf32>
      %parallel_loop3A_68 = arith.constant 0.000000e+00 : f32
      %parallel_loop3A_69 = vector.broadcast %parallel_loop3A_68 : f32 to vector<16xf32>
      %parallel_loop3A_70 = arith.subf %parallel_loop3A_69, %parallel_loop3A_67 : vector<16xf32>
      %parallel_loop3A_71 = math.exp %parallel_loop3A_70 : vector<16xf32>
      %parallel_loop3A_72 = arith.constant 1.000000e+00 : f32
      %parallel_loop3A_73 = vector.broadcast %parallel_loop3A_72 : f32 to vector<16xf32>
      %parallel_loop3A_74 = arith.addf %parallel_loop3A_73, %parallel_loop3A_71 : vector<16xf32>
      %parallel_loop3A_75 = arith.constant 1.010000e+00 : f32
      %parallel_loop3A_76 = vector.broadcast %parallel_loop3A_75 : f32 to vector<16xf32>
      %parallel_loop3A_77 = arith.divf %parallel_loop3A_76, %parallel_loop3A_74 : vector<16xf32>
      %parallel_loop3A_78 = arith.constant 1.000000e+00 : f32
      %parallel_loop3A_79 = vector.broadcast %parallel_loop3A_78 : f32 to vector<16xf32>
      %parallel_loop3A_80 = arith.minimumf %parallel_loop3A_77, %parallel_loop3A_79 : vector<16xf32>
      %parallel_loop3A_81 = arith.constant 4992 : i32
      %parallel_loop3A_82 = arith.addi %parallel_loop3A_81, %parallel_loop3A_55 : i32
      %parallel_loop3A_83 = arith.index_cast %parallel_loop3A_82 : i32 to index
      %parallel_loop3A_84 = tpu.vector_load %arg12[%parallel_loop3A_83] {strides = array<i32>} : memref<9984xf32, #tpu.memory_space<vmem>>, vector<16xf32>,
      tpu.vector_store %arg12[%parallel_loop3A_83], %parallel_loop3A_80 {strides = array<i32>} : memref<9984xf32, #tpu.memory_space<vmem>>, vector<16xf32>,
      %parallel_loop3A_85 = arith.addf %parallel_loop3A_56, %parallel_loop3A_80 : vector<16xf32>
      scf.yield %parallel_loop3A_85 : vector<16xf32>
    } {sc.loop_unroll_factor = 12 : i64, sc.parallel_access}
    %run_scoped3A = arith.constant 0 : i32
    "tpu.region"() ({
      %run_scoped3A_55 = tpu.sem_alloc : memref<!tpu.dma_semaphore, #tpu.memory_space<semaphore_mem>>
      %dma_start3A_56 = tpu.memref_slice %arg5[%run_scoped3A, %mul3A_2] : memref<1x320000xf32, #tpu.memory_space<hbm>> -> memref<1x9984xf32, #tpu.memory_space<hbm>>
      %dma_start3A_57 = tpu.memref_squeeze %dma_start3A_56 : memref<1x9984xf32, #tpu.memory_space<hbm>> -> memref<9984xf32, #tpu.memory_space<hbm>>
      %dma_start3A_58 = tpu.memref_slice %arg5[%run_scoped3A, %mul3A_2] : memref<1x320000xf32, #tpu.memory_space<hbm>> -> memref<1x9984xf32, #tpu.memory_space<hbm>>
      %dma_start3A_59 = tpu.memref_squeeze %dma_start3A_58 : memref<1x9984xf32, #tpu.memory_space<hbm>> -> memref<9984xf32, #tpu.memory_space<hbm>>
      tpu.enqueue_dma source(%arg12 : memref<9984xf32, #tpu.memory_space<vmem>>) target(%dma_start3A_59 : memref<9984xf32, #tpu.memory_space<hbm>>) target_semaphore(%run_scoped3A_55 : memref<!tpu.dma_semaphore, #tpu.memory_space<semaphore_mem>>)
      %dma_wait3A_60 = tpu.memref_slice %arg5[%run_scoped3A, %mul3A_2] : memref<1x320000xf32, #tpu.memory_space<hbm>> -> memref<1x9984xf32, #tpu.memory_space<hbm>>
      %dma_wait3A_61 = tpu.memref_squeeze %dma_wait3A_60 : memref<1x9984xf32, #tpu.memory_space<hbm>> -> memref<9984xf32, #tpu.memory_space<hbm>>
      %dma_wait3A_62 = tpu.memref_slice %arg5[%run_scoped3A, %mul3A_2] : memref<1x320000xf32, #tpu.memory_space<hbm>> -> memref<1x9984xf32, #tpu.memory_space<hbm>>
      %dma_wait3A_63 = tpu.memref_squeeze %dma_wait3A_62 : memref<1x9984xf32, #tpu.memory_space<hbm>> -> memref<9984xf32, #tpu.memory_space<hbm>>
      tpu.wait_dma2 semaphore(%run_scoped3A_55 : memref<!tpu.dma_semaphore, #tpu.memory_space<semaphore_mem>>) src(%arg12 : memref<9984xf32, #tpu.memory_space<vmem>>) dst(%dma_wait3A_63 : memref<9984xf32, #tpu.memory_space<hbm>>)
      tpu.yield
    }) : () -> ()
    %dma_wait3A_44 = arith.constant 0 : i32
    %dma_wait3A_45 = tpu.memref_slice %arg4[%dma_wait3A_44, %mul3A_24] : memref<2x320000xi32, #tpu.memory_space<hbm>> -> memref<2x128xi32, #tpu.memory_space<hbm>>
    %dma_wait3A_46 = arith.constant 0 : i32
    %dma_wait3A_47 = tpu.memref_slice %arg4[%dma_wait3A_46, %mul3A_24] : memref<2x320000xi32, #tpu.memory_space<hbm>> -> memref<2x128xi32, #tpu.memory_space<hbm>>
    tpu.wait_dma2 semaphore(%arg18 : memref<!tpu.dma_semaphore, #tpu.memory_space<semaphore_mem>>) src(%dma_wait3A_47 : memref<2x128xi32, #tpu.memory_space<hbm>>) dst(%arg11 : memref<2x128xi32, #tpu.memory_space<vmem>>)
    %lt3A_48 = arith.constant 4 : i32
    %lt3A_49 = arith.cmpi slt, %add3A, %lt3A_48 : i32
    %convert_element_type3A = arith.extui %lt3A_49 : i1 to i32
    %cond3A = arith.constant 0 : i32
    %cond3A_50 = arith.cmpi ne, %convert_element_type3A, %cond3A : i32
    scf.if %cond3A_50 {
      %parallel_loop3A_55 = arith.constant 0 : i32
      %parallel_loop3A_56 = arith.constant 128 : i32
      %parallel_loop3A_57 = arith.constant 16 : i32
      %parallel_loop3A_58 = scf.for %parallel_loop3A_65 = %parallel_loop3A_55 to %parallel_loop3A_56 step %parallel_loop3A_57 iter_args(%parallel_loop3A_66 = %parallel_loop3A_43) -> (vector<16xf32>)  : i32 {
        %parallel_loop3A_67 = arith.constant 0 : i32
        %parallel_loop3A_68 = arith.index_cast %parallel_loop3A_67 : i32 to index
        %parallel_loop3A_69 = arith.index_cast %parallel_loop3A_65 : i32 to index
        %parallel_loop3A_70 = tpu.vector_load %arg11[%parallel_loop3A_68, %parallel_loop3A_69] {strides = array<i32>} : memref<2x128xi32, #tpu.memory_space<vmem>>, vector<16xi32>,
        %parallel_loop3A_71 = arith.constant 1 : i32
        %parallel_loop3A_72 = arith.index_cast %parallel_loop3A_71 : i32 to index
        %parallel_loop3A_73 = arith.index_cast %parallel_loop3A_65 : i32 to index
        %parallel_loop3A_74 = tpu.vector_load %arg11[%parallel_loop3A_72, %parallel_loop3A_73] {strides = array<i32>} : memref<2x128xi32, #tpu.memory_space<vmem>>, vector<16xi32>,
        %parallel_loop3A_75 = tpu.vector_load_idx %arg7[%parallel_loop3A_70] : memref<10240xf32, #tpu.memory_space<vmem>>[vector<16xi32>], vector<16xf32>,
        %parallel_loop3A_76 = tpu.vector_load_idx %arg8[%parallel_loop3A_74] : memref<10240xf32, #tpu.memory_space<vmem>>[vector<16xi32>], vector<16xf32>,
        %parallel_loop3A_77 = arith.addf %parallel_loop3A_75, %parallel_loop3A_76 : vector<16xf32>
        %parallel_loop3A_78 = arith.constant 0.000000e+00 : f32
        %parallel_loop3A_79 = vector.broadcast %parallel_loop3A_78 : f32 to vector<16xf32>
        %parallel_loop3A_80 = arith.subf %parallel_loop3A_79, %parallel_loop3A_77 : vector<16xf32>
        %parallel_loop3A_81 = math.exp %parallel_loop3A_80 : vector<16xf32>
        %parallel_loop3A_82 = arith.constant 1.000000e+00 : f32
        %parallel_loop3A_83 = vector.broadcast %parallel_loop3A_82 : f32 to vector<16xf32>
        %parallel_loop3A_84 = arith.addf %parallel_loop3A_83, %parallel_loop3A_81 : vector<16xf32>
        %parallel_loop3A_85 = arith.constant 1.010000e+00 : f32
        %parallel_loop3A_86 = vector.broadcast %parallel_loop3A_85 : f32 to vector<16xf32>
        %parallel_loop3A_87 = arith.divf %parallel_loop3A_86, %parallel_loop3A_84 : vector<16xf32>
        %parallel_loop3A_88 = arith.constant 1.000000e+00 : f32
        %parallel_loop3A_89 = vector.broadcast %parallel_loop3A_88 : f32 to vector<16xf32>
        %parallel_loop3A_90 = arith.minimumf %parallel_loop3A_87, %parallel_loop3A_89 : vector<16xf32>
        %parallel_loop3A_91 = arith.index_cast %parallel_loop3A_65 : i32 to index
        %parallel_loop3A_92 = tpu.vector_load %arg13[%parallel_loop3A_91] {strides = array<i32>} : memref<128xf32, #tpu.memory_space<vmem>>, vector<16xf32>,
        tpu.vector_store %arg13[%parallel_loop3A_91], %parallel_loop3A_90 {strides = array<i32>} : memref<128xf32, #tpu.memory_space<vmem>>, vector<16xf32>,
        %parallel_loop3A_93 = arith.addf %parallel_loop3A_66, %parallel_loop3A_90 : vector<16xf32>
        scf.yield %parallel_loop3A_93 : vector<16xf32>
      } {sc.loop_unroll_factor = 8 : i64, sc.parallel_access}
      %swap3A = arith.constant 0 : index
      %swap3A_59 = tpu.vector_load %arg14[%swap3A] {strides = array<i32>} : memref<16xf32, #tpu.memory_space<vmem>>, vector<16xf32>,
      tpu.vector_store %arg14[%swap3A], %parallel_loop3A_58 {strides = array<i32>} : memref<16xf32, #tpu.memory_space<vmem>>, vector<16xf32>,
      %add3A_60 = arith.constant 2496 : i32
      %add3A_61 = arith.addi %add3A_60, %add3A : i32
      %mul3A_62 = arith.constant 128 : i32
      %mul3A_63 = arith.muli %add3A_61, %mul3A_62 : i32
      %run_scoped3A_64 = arith.constant 0 : i32
      "tpu.region"() ({
        %run_scoped3A_65 = tpu.sem_alloc : memref<!tpu.dma_semaphore, #tpu.memory_space<semaphore_mem>>
        %dma_start3A_66 = tpu.memref_slice %arg5[%run_scoped3A_64, %mul3A_63] : memref<1x320000xf32, #tpu.memory_space<hbm>> -> memref<1x128xf32, #tpu.memory_space<hbm>>
        %dma_start3A_67 = tpu.memref_squeeze %dma_start3A_66 : memref<1x128xf32, #tpu.memory_space<hbm>> -> memref<128xf32, #tpu.memory_space<hbm>>
        %dma_start3A_68 = tpu.memref_slice %arg5[%run_scoped3A_64, %mul3A_63] : memref<1x320000xf32, #tpu.memory_space<hbm>> -> memref<1x128xf32, #tpu.memory_space<hbm>>
        %dma_start3A_69 = tpu.memref_squeeze %dma_start3A_68 : memref<1x128xf32, #tpu.memory_space<hbm>> -> memref<128xf32, #tpu.memory_space<hbm>>
        tpu.enqueue_dma source(%arg13 : memref<128xf32, #tpu.memory_space<vmem>>) target(%dma_start3A_69 : memref<128xf32, #tpu.memory_space<hbm>>) target_semaphore(%run_scoped3A_65 : memref<!tpu.dma_semaphore, #tpu.memory_space<semaphore_mem>>)
        %dma_wait3A_70 = tpu.memref_slice %arg5[%run_scoped3A_64, %mul3A_63] : memref<1x320000xf32, #tpu.memory_space<hbm>> -> memref<1x128xf32, #tpu.memory_space<hbm>>
        %dma_wait3A_71 = tpu.memref_squeeze %dma_wait3A_70 : memref<1x128xf32, #tpu.memory_space<hbm>> -> memref<128xf32, #tpu.memory_space<hbm>>
        %dma_wait3A_72 = tpu.memref_slice %arg5[%run_scoped3A_64, %mul3A_63] : memref<1x320000xf32, #tpu.memory_space<hbm>> -> memref<1x128xf32, #tpu.memory_space<hbm>>
        %dma_wait3A_73 = tpu.memref_squeeze %dma_wait3A_72 : memref<1x128xf32, #tpu.memory_space<hbm>> -> memref<128xf32, #tpu.memory_space<hbm>>
        tpu.wait_dma2 semaphore(%run_scoped3A_65 : memref<!tpu.dma_semaphore, #tpu.memory_space<semaphore_mem>>) src(%arg13 : memref<128xf32, #tpu.memory_space<vmem>>) dst(%dma_wait3A_73 : memref<128xf32, #tpu.memory_space<hbm>>)
        tpu.yield
      }) : () -> ()
    } else {
    }
    %ge3A = arith.constant 4 : i32
    %ge3A_51 = arith.cmpi sge, %add3A, %ge3A : i32
    %convert_element_type3A_52 = arith.extui %ge3A_51 : i1 to i32
    %cond3A_53 = arith.constant 0 : i32
    %cond3A_54 = arith.cmpi ne, %convert_element_type3A_52, %cond3A_53 : i32
    scf.if %cond3A_54 {
      %swap3A = arith.constant 0 : index
      %swap3A_55 = tpu.vector_load %arg14[%swap3A] {strides = array<i32>} : memref<16xf32, #tpu.memory_space<vmem>>, vector<16xf32>,
      tpu.vector_store %arg14[%swap3A], %parallel_loop3A_43 {strides = array<i32>} : memref<16xf32, #tpu.memory_space<vmem>>, vector<16xf32>,
    } else {
    }
    "tpu.region"() ({
      %run_scoped3A_55 = tpu.sem_alloc : memref<!tpu.dma_semaphore, #tpu.memory_space<semaphore_mem>>
      %dma_start3A_56 = arith.constant 0 : i32
      %dma_start3A_57 = tpu.memref_slice %arg6[%add3A, %dma_start3A_56] : memref<32x16xf32, #tpu.memory_space<hbm>> -> memref<1x16xf32, #tpu.memory_space<hbm>>
      %dma_start3A_58 = tpu.memref_squeeze %dma_start3A_57 : memref<1x16xf32, #tpu.memory_space<hbm>> -> memref<16xf32, #tpu.memory_space<hbm>>
      %dma_start3A_59 = arith.constant 0 : i32
      %dma_start3A_60 = tpu.memref_slice %arg6[%add3A, %dma_start3A_59] : memref<32x16xf32, #tpu.memory_space<hbm>> -> memref<1x16xf32, #tpu.memory_space<hbm>>
      %dma_start3A_61 = tpu.memref_squeeze %dma_start3A_60 : memref<1x16xf32, #tpu.memory_space<hbm>> -> memref<16xf32, #tpu.memory_space<hbm>>
      tpu.enqueue_dma source(%arg14 : memref<16xf32, #tpu.memory_space<vmem>>) target(%dma_start3A_61 : memref<16xf32, #tpu.memory_space<hbm>>) target_semaphore(%run_scoped3A_55 : memref<!tpu.dma_semaphore, #tpu.memory_space<semaphore_mem>>)
      %dma_wait3A_62 = arith.constant 0 : i32
      %dma_wait3A_63 = tpu.memref_slice %arg6[%add3A, %dma_wait3A_62] : memref<32x16xf32, #tpu.memory_space<hbm>> -> memref<1x16xf32, #tpu.memory_space<hbm>>
      %dma_wait3A_64 = tpu.memref_squeeze %dma_wait3A_63 : memref<1x16xf32, #tpu.memory_space<hbm>> -> memref<16xf32, #tpu.memory_space<hbm>>
      %dma_wait3A_65 = arith.constant 0 : i32
      %dma_wait3A_66 = tpu.memref_slice %arg6[%add3A, %dma_wait3A_65] : memref<32x16xf32, #tpu.memory_space<hbm>> -> memref<1x16xf32, #tpu.memory_space<hbm>>
      %dma_wait3A_67 = tpu.memref_squeeze %dma_wait3A_66 : memref<1x16xf32, #tpu.memory_space<hbm>> -> memref<16xf32, #tpu.memory_space<hbm>>
      tpu.wait_dma2 semaphore(%run_scoped3A_55 : memref<!tpu.dma_semaphore, #tpu.memory_space<semaphore_mem>>) src(%arg14 : memref<16xf32, #tpu.memory_space<vmem>>) dst(%dma_wait3A_67 : memref<16xf32, #tpu.memory_space<hbm>>)
      tpu.yield
    }) : () -> ()
    return
  }
}

module attributes {stable_mosaic.version = 14 : i64} {
  func.func @_node_scalars_body(%arg0: i32, %arg1: memref<5120x128xf32, #tpu.memory_space<vmem>>, %arg2: memref<16x128xf32, #tpu.memory_space<vmem>>, %arg3: memref<16xf32, #tpu.memory_space<vmem>>, %arg4: memref<16x128xf32, #tpu.memory_space<vmem>>, %arg5: memref<16xf32, #tpu.memory_space<vmem>>, %arg6: memref<32xf32, #tpu.memory_space<vmem>>, %arg7: memref<1xf32, #tpu.memory_space<vmem>>, %arg8: memref<5120xf32, #tpu.memory_space<vmem>>, %arg9: memref<5120xf32, #tpu.memory_space<vmem>>) attributes {dimension_semantics = [#tpu.dimension_semantics<arbitrary>], iteration_bounds = array<i64: 2>, scalar_prefetch = 0 : i64, scratch_operands = 0 : i64, tpu.core_type = #tpu.core_type<tc>, window_params = [{transform_indices = @transform_0, window_bounds = array<i64: 5120, 128>}, {pipeline_mode = #tpu.pipeline_mode<synchronous>, transform_indices = @transform_1, window_bounds = array<i64: 16, 128>}, {pipeline_mode = #tpu.pipeline_mode<synchronous>, transform_indices = @transform_2, window_bounds = array<i64: 16>}, {pipeline_mode = #tpu.pipeline_mode<synchronous>, transform_indices = @transform_3, window_bounds = array<i64: 16, 128>}, {pipeline_mode = #tpu.pipeline_mode<synchronous>, transform_indices = @transform_4, window_bounds = array<i64: 16>}, {pipeline_mode = #tpu.pipeline_mode<synchronous>, transform_indices = @transform_5, window_bounds = array<i64: 32>}, {pipeline_mode = #tpu.pipeline_mode<synchronous>, transform_indices = @transform_6, window_bounds = array<i64: 1>}, {transform_indices = @transform_7, window_bounds = array<i64: 5120>}, {transform_indices = @transform_8, window_bounds = array<i64: 5120>}]} {
    %get3A = arith.constant 0 : index
    %get3A_0 = arith.constant 0 : index
    %get3A_1 = vector.load %arg1[%get3A, %get3A_0] : memref<5120x128xf32, #tpu.memory_space<vmem>>, vector<5120x128xf32>
    %get3A_2 = arith.constant 0 : index
    %get3A_3 = arith.constant 0 : index
    %get3A_4 = vector.load %arg2[%get3A_2, %get3A_3] : memref<16x128xf32, #tpu.memory_space<vmem>>, vector<16x128xf32>
    %dot_general3A = arith.constant dense<0.000000e+00> : vector<5120x16xf32>
    %dot_general3A_5 = tpu.matmul %get3A_1, %get3A_4, %dot_general3A {dimension_numbers = #tpu.dot_dimension_numbers<[1], [1], [0], [0], [0, 0, 1, 0], [], []>, transpose_lhs_hint = false} : vector<5120x128xf32>, vector<16x128xf32>, vector<5120x16xf32> -> vector<5120x16xf32>
    %get3A_6 = arith.constant 0 : index
    %get3A_7 = vector.load %arg3[%get3A_6] : memref<16xf32, #tpu.memory_space<vmem>>, vector<16xf32>
    %broadcast_in_dim3A = vector.shape_cast %get3A_7 : vector<16xf32> to vector<1x16xf32>
    %add3A = vector.broadcast %broadcast_in_dim3A : vector<1x16xf32> to vector<5120x16xf32>
    %add3A_8 = arith.addf %dot_general3A_5, %add3A : vector<5120x16xf32>
    %max3A = arith.constant 0.000000e+00 : f32
    %max3A_9 = vector.broadcast %max3A : f32 to vector<5120x16xf32>
    %max3A_10 = arith.maximumf %add3A_8, %max3A_9 : vector<5120x16xf32>
    %get3A_11 = arith.constant 0 : index
    %get3A_12 = arith.constant 0 : index
    %get3A_13 = vector.load %arg4[%get3A_11, %get3A_12] : memref<16x128xf32, #tpu.memory_space<vmem>>, vector<16x128xf32>
    %dot_general3A_14 = arith.constant dense<0.000000e+00> : vector<5120x16xf32>
    %dot_general3A_15 = tpu.matmul %get3A_1, %get3A_13, %dot_general3A_14 {dimension_numbers = #tpu.dot_dimension_numbers<[1], [1], [0], [0], [0, 0, 1, 0], [], []>, transpose_lhs_hint = false} : vector<5120x128xf32>, vector<16x128xf32>, vector<5120x16xf32> -> vector<5120x16xf32>
    %get3A_16 = arith.constant 0 : index
    %get3A_17 = vector.load %arg5[%get3A_16] : memref<16xf32, #tpu.memory_space<vmem>>, vector<16xf32>
    %broadcast_in_dim3A_18 = vector.shape_cast %get3A_17 : vector<16xf32> to vector<1x16xf32>
    %add3A_19 = vector.broadcast %broadcast_in_dim3A_18 : vector<1x16xf32> to vector<5120x16xf32>
    %add3A_20 = arith.addf %dot_general3A_15, %add3A_19 : vector<5120x16xf32>
    %max3A_21 = arith.constant 0.000000e+00 : f32
    %max3A_22 = vector.broadcast %max3A_21 : f32 to vector<5120x16xf32>
    %max3A_23 = arith.maximumf %add3A_20, %max3A_22 : vector<5120x16xf32>
    %get3A_24 = arith.constant 0 : index
    %get3A_25 = vector.load %arg6[%get3A_24] : memref<32xf32, #tpu.memory_space<vmem>>, vector<32xf32>
    %slice3A = vector.extract_strided_slice %get3A_25 {offsets = [0], sizes = [16], strides = [1]} : vector<32xf32> to vector<16xf32>
    %reshape3A = vector.shape_cast %slice3A : vector<16xf32> to vector<1x16xf32>
    %slice3A_26 = vector.extract_strided_slice %get3A_25 {offsets = [16], sizes = [16], strides = [1]} : vector<32xf32> to vector<16xf32>
    %reshape3A_27 = vector.shape_cast %slice3A_26 : vector<16xf32> to vector<1x16xf32>
    %dot_general3A_28 = arith.constant dense<0.000000e+00> : vector<1x5120xf32>
    %dot_general3A_29 = tpu.matmul %reshape3A, %max3A_10, %dot_general3A_28 {dimension_numbers = #tpu.dot_dimension_numbers<[1], [1], [0], [0], [0, 0, 1, 0], [], []>, transpose_lhs_hint = false} : vector<1x16xf32>, vector<5120x16xf32>, vector<1x5120xf32> -> vector<1x5120xf32>
    %reshape3A_30 = vector.shape_cast %dot_general3A_29 : vector<1x5120xf32> to vector<5120xf32>
    %get3A_31 = arith.constant 0 : index
    %get3A_32 = vector.load %arg7[%get3A_31] : memref<1xf32, #tpu.memory_space<vmem>>, vector<1xf32>
    %get3A_33 = vector.extract %get3A_32[0] : f32 from vector<1xf32>
    %add3A_34 = vector.broadcast %get3A_33 : f32 to vector<5120xf32>
    %add3A_35 = arith.addf %reshape3A_30, %add3A_34 : vector<5120xf32>
    %swap3A = arith.constant 0 : index
    %swap3A_36 = vector.load %arg8[%swap3A] : memref<5120xf32, #tpu.memory_space<vmem>>, vector<5120xf32>
    tpu.vector_store %arg8[%swap3A], %add3A_35 {strides = array<i32>} : memref<5120xf32, #tpu.memory_space<vmem>>, vector<5120xf32>,
    %dot_general3A_37 = arith.constant dense<0.000000e+00> : vector<1x5120xf32>
    %dot_general3A_38 = tpu.matmul %reshape3A_27, %max3A_23, %dot_general3A_37 {dimension_numbers = #tpu.dot_dimension_numbers<[1], [1], [0], [0], [0, 0, 1, 0], [], []>, transpose_lhs_hint = false} : vector<1x16xf32>, vector<5120x16xf32>, vector<1x5120xf32> -> vector<1x5120xf32>
    %reshape3A_39 = vector.shape_cast %dot_general3A_38 : vector<1x5120xf32> to vector<5120xf32>
    %swap3A_40 = arith.constant 0 : index
    %swap3A_41 = vector.load %arg9[%swap3A_40] : memref<5120xf32, #tpu.memory_space<vmem>>, vector<5120xf32>
    tpu.vector_store %arg9[%swap3A_40], %reshape3A_39 {strides = array<i32>} : memref<5120xf32, #tpu.memory_space<vmem>>, vector<5120xf32>,
    return
  }
  func.func @transform_0(%arg0: i32) -> (i32, i32) {
    %c0_i32 = arith.constant 0 : i32
    %c0_i32_0 = arith.constant 0 : i32
    return %arg0, %c0_i32 : i32, i32
  }
  func.func @transform_1(%arg0: i32) -> (i32, i32) {
    %c0_i32 = arith.constant 0 : i32
    %c0_i32_0 = arith.constant 0 : i32
    %c0_i32_1 = arith.constant 0 : i32
    return %c0_i32, %c0_i32_0 : i32, i32
  }
  func.func @transform_2(%arg0: i32) -> i32 {
    %c0_i32 = arith.constant 0 : i32
    %c0_i32_0 = arith.constant 0 : i32
    return %c0_i32 : i32
  }
  func.func @transform_3(%arg0: i32) -> (i32, i32) {
    %c0_i32 = arith.constant 0 : i32
    %c0_i32_0 = arith.constant 0 : i32
    %c0_i32_1 = arith.constant 0 : i32
    return %c0_i32, %c0_i32_0 : i32, i32
  }
  func.func @transform_4(%arg0: i32) -> i32 {
    %c0_i32 = arith.constant 0 : i32
    %c0_i32_0 = arith.constant 0 : i32
    return %c0_i32 : i32
  }
  func.func @transform_5(%arg0: i32) -> i32 {
    %c0_i32 = arith.constant 0 : i32
    %c0_i32_0 = arith.constant 0 : i32
    return %c0_i32 : i32
  }
  func.func @transform_6(%arg0: i32) -> i32 {
    %c0_i32 = arith.constant 0 : i32
    %c0_i32_0 = arith.constant 0 : i32
    return %c0_i32 : i32
  }
  func.func @transform_7(%arg0: i32) -> i32 {
    %c0_i32 = arith.constant 0 : i32
    return %arg0 : i32
  }
  func.func @transform_8(%arg0: i32) -> i32 {
    %c0_i32 = arith.constant 0 : i32
    return %arg0 : i32
  }
}

module attributes {stable_mosaic.version = 14 : i64} {
  func.func @_sum_body(%arg0: memref<32x16xf32, #tpu.memory_space<vmem>>, %arg1: memref<1x1xf32, #tpu.memory_space<vmem>>) attributes {dimension_semantics = [], scalar_prefetch = 0 : i64, scratch_operands = 0 : i64, tpu.core_type = #tpu.core_type<tc>} {
    %get3A = arith.constant 0 : index
    %get3A_0 = arith.constant 0 : index
    %get3A_1 = vector.load %arg0[%get3A, %get3A_0] : memref<32x16xf32, #tpu.memory_space<vmem>>, vector<32x16xf32>
    %reduce_sum3A = vector.shape_cast %get3A_1 : vector<32x16xf32> to vector<1x32x16xf32>
    %reduce_sum3A_2 = arith.constant dense<0.000000e+00> : vector<1xf32>
    %reduce_sum3A_3 = vector.multi_reduction <add>, %reduce_sum3A, %reduce_sum3A_2 [1, 2] : vector<1x32x16xf32> to vector<1xf32>
    %reduce_sum3A_4 = vector.shape_cast %reduce_sum3A_3 : vector<1xf32> to vector<1x1x1xf32>
    %reduce_sum3A_5 = vector.extract %reduce_sum3A_4[0, 0, 0] : f32 from vector<1x1x1xf32>
    %reshape3A = vector.broadcast %reduce_sum3A_5 : f32 to vector<1x1xf32>
    %swap3A = arith.constant 0 : index
    %swap3A_6 = arith.constant 0 : index
    %swap3A_7 = vector.load %arg1[%swap3A, %swap3A_6] : memref<1x1xf32, #tpu.memory_space<vmem>>, vector<1x1xf32>
    tpu.vector_store %arg1[%swap3A, %swap3A_6], %reshape3A {strides = array<i32>} : memref<1x1xf32, #tpu.memory_space<vmem>>, vector<1x1xf32>,
    return
  }
}

</mosaic_0001>

<sc_bundles>
// kernel: kernel.5.cloned.1.call-start
scs
__scs_entry_jumppad:
0x0: {  	(pc) =	sbr.rel $0x88, $3  }
0x1: {  	(tag) =	ssettag $0x0;
	lr =	simm.s32 $0x1  }
0x2: {  	[smem:$0x3F99] =	sst lr;
	_ =	strace $0xD0000000  }
0x3: {  	_ = 	snop  }
0x4: {  	_ = 	snop  }
0x5: {  	_ = 	snop  }
0x6: {  	_ = 	snop  }
0x7: {  	_ = 	snop  }
__scs_overlays_trampoline_lowered:
0x8: {  	[smem:$0x3FA8] =	sst s0  }
0x9: {  	[smem:$0x3FA9] =	sst s1  }
0xa: {  	[smem:$0x3FAA] =	sst s2  }
0xb: {  	[smem:$0x3FAB] =	sst s3  }
0xc: {  	[smem:$0x3FAC] =	sst s4  }
0xd: {  	[smem:$0x3FAD] =	sst s5  }
0xe: {  	[smem:$0x3FAE] =	sst s6  }
0xf: {  	[smem:$0x3FAF] =	sst s7  }
0x10: {  	[smem:$0x3FB0] =	sst s8  }
0x11: {  	[smem:$0x3FB1] =	sst s9;
	s0 =	simm.s32 @!p0 $0x0  }
0x12: {  	s1 =	sld [smem:$0x3F97];
	s0 =	simm.s32 @p0 $0x1  }
0x13: {  	[smem:$0x3FB2] =	sst s0;
	s0 =	simm.s32 @!p1 $0x0  }
0x14: {  	s2 =	sld [smem:$0x3F96];
	s0 =	simm.s32 @p1 $0x1  }
0x15: {  	[smem:$0x3FB3] =	sst s0;
	s0 =	simm.s32 @!p2 $0x0  }
0x16: {  	s3 =	sld [smem:$0x3FDB];
	s0 =	simm.s32 @p2 $0x1  }
0x17: {  	s4 =	simm.s32 $0x1BF5;
	[smem:$0x3FB5] =	sst s0  }
0x18: {  	s0 =	sld [smem:$0x3F98];
	_ =	swait.ge [sflag:s4], $0x0  }
0x19: {  	s7 =	sld [smem:$0x3F99]  }
0x1a: {  	s8 =	sadd.s32 $0xFFFFE003, lr  }
0x1b: {  	s9 =	sadd.s32 $0xFFFFFEF7, lr;
	s5 =	simm.s32 $0xFFFFFFFF;
	p2 =	slt.u32 s8, $0xFFFFF086  }
0x1c: {  	p1 =	slt.u32 s9, $0xF7A;
	s5 =	simm.s32 @!p2 $0x0  }
0x1d: {  	s5 =	simm.s32 @p1 $0x1;
	p0 =	seq.s32 s7, s2  }
0x1e: {  	s7 =	smul.u32 @!p0 $0xF7A, s2;
	p2 =	seq.s32 @!p0 s5, $0x0  }
0x1f: {  	s9 =	smul.u32 $0xF7A, s1;
	s8 =	simm.s32 @!p0 $0x1BF5;
	p2 =	por !p2, p0  }
0x20: {  	[sflag:s8] =	ssyncset.s32 @!p0 $0xFFFFF086;
	s6 =	sadd.s32 @!p0 s3, s7;
	s7 =	simm.s32 @!p0 $0x108  }
0x21: {  	s3 =	sadd.s32 s3, s9;
	s6 =	sadd.s32 @!p0 $0x88, s6;
	s7 =	simm.s32 @p2 $0x1082  }
0x22: {  	[simem:s7], [sflag:s8] =	dma.local @!p0 [hbm:s6], $0xF7A  }
0x23: {  	s9 =	sor.u32 $0xD0000000, s2;
	s6 =	simm.s32 $0x108;
	_ =	swait.ge @!p0 [sflag:s8], $0x0  }
0x24: {  	s3 =	sadd.s32 $0x88, s3;
	s6 =	simm.s32 @!p1 $0x1082;
	[sflag:s4] =	ssyncset.s32 $0xFFFFF086  }
0x25: {  	[simem:s6], [sflag:s4] =	dma.local [hbm:s3], $0xF7A  }
0x26: {  	[smem:$0x3F99] =	sst s1;
	(tag) =	ssettag s2;
	_ =	strace s9  }
0x27: {  	s1 =	sld [smem:$0x3FA9]  }
0x28: {  	s2 =	sld [smem:$0x3FAA]  }
0x29: {  	s4 =	sld [smem:$0x3FAC]  }
0x2a: {  	p0 =	seq.s32 s5, $0x0;
	s5 =	sld [smem:$0x3FAD]  }
0x2b: {  	s6 =	sld [smem:$0x3FAE]  }
0x2c: {  	s7 =	sld [smem:$0x3FAF]  }
0x2d: {  	s3 =	simm.s32 $0x108;
	s8 =	sld [smem:$0x3FB0]  }
0x2e: {  	s3 =	simm.s32 @!p0 $0x1082;
	s9 =	sld [smem:$0x3FB1]  }
0x2f: {  	lr =	sadd.s32 s0, s3;
	s0 =	sld [smem:$0x3FA8]  }
0x30: {  	s3 =	sld [smem:$0x3FAB]  }
0x31: {  	[smem:$0x3FB4] =	sst s10  }
0x32: {  	s10 =	sld [smem:$0x3FB2];
	_ =	sdelay $0x3  }
0x33: {  	p0 =	seq.s32 s10, $0x1;
	s10 =	sld [smem:$0x3FB4];
	_ =	sdelay $0x3  }
0x34: {  	[smem:$0x3FB4] =	sst s10  }
0x35: {  	s10 =	sld [smem:$0x3FB3];
	_ =	sdelay $0x3  }
0x36: {  	p1 =	seq.s32 s10, $0x1;
	s10 =	sld [smem:$0x3FB4];
	_ =	sdelay $0x3  }
0x37: {  	[smem:$0x3FB4] =	sst s10  }
0x38: {  	s10 =	sld [smem:$0x3FB5]  }
0x39: {  	_ = 	snop;
	(pc) =	sbr.ind lr, $3  }
0x3a: {  	_ = 	snop  }
0x3b: {  	_ = 	snop  }
0x3c: {  	p2 =	seq.s32 s10, $0x1;
	s10 =	sld [smem:$0x3FB4]  }
0x3d: {  	_ =	shalt  }
0x3e: {  	_ =	shalt  }
0x3f: {  	_ =	shalt  }
0x40: {  	_ =	shalt  }
0x41: {  	_ =	shalt  }
0x42: {  	_ =	shalt  }
0x43: {  	_ =	shalt  }
0x44: {  	_ =	shalt  }
0x45: {  	_ =	shalt  }
0x46: {  	_ =	shalt  }
0x47: {  	_ =	shalt  }
0x48: {  	_ =	shalt  }
0x49: {  	_ =	shalt  }
0x4a: {  	_ =	shalt  }
0x4b: {  	_ =	shalt  }
0x4c: {  	_ =	shalt  }
0x4d: {  	_ =	shalt  }
0x4e: {  	_ =	shalt  }
0x4f: {  	_ =	shalt  }
0x50: {  	_ =	shalt  }
0x51: {  	_ =	shalt  }
0x52: {  	_ =	shalt  }
0x53: {  	_ =	shalt  }
0x54: {  	_ =	shalt  }
0x55: {  	_ =	shalt  }
0x56: {  	_ =	shalt  }
0x57: {  	_ =	shalt  }
0x58: {  	_ =	shalt  }
0x59: {  	_ =	shalt  }
0x5a: {  	_ =	shalt  }
0x5b: {  	_ =	shalt  }
0x5c: {  	_ =	shalt  }
0x5d: {  	_ =	shalt  }
0x5e: {  	_ =	shalt  }
0x5f: {  	_ =	shalt  }
0x60: {  	_ =	shalt  }
0x61: {  	_ =	shalt  }
0x62: {  	_ =	shalt  }
0x63: {  	_ =	shalt  }
0x64: {  	_ =	shalt  }
0x65: {  	_ =	shalt  }
0x66: {  	_ =	shalt  }
0x67: {  	_ =	shalt  }
0x68: {  	_ =	shalt  }
0x69: {  	_ =	shalt  }
0x6a: {  	_ =	shalt  }
0x6b: {  	_ =	shalt  }
0x6c: {  	_ =	shalt  }
0x6d: {  	_ =	shalt  }
0x6e: {  	_ =	shalt  }
0x6f: {  	_ =	shalt  }
0x70: {  	_ =	shalt  }
0x71: {  	_ =	shalt  }
0x72: {  	_ =	shalt  }
0x73: {  	_ =	shalt  }
0x74: {  	_ =	shalt  }
0x75: {  	_ =	shalt  }
0x76: {  	_ =	shalt  }
0x77: {  	_ =	shalt  }
0x78: {  	_ =	shalt  }
0x79: {  	_ =	shalt  }
0x7a: {  	_ =	shalt  }
0x7b: {  	_ =	shalt  }
0x7c: {  	_ =	shalt  }
0x7d: {  	_ =	shalt  }
0x7e: {  	_ =	shalt  }
0x7f: {  	_ =	shalt  }
0x80: {  	_ =	shalt  }
0x81: {  	_ =	shalt  }
0x82: {  	_ =	shalt  }
0x83: {  	_ =	shalt  }
0x84: {  	_ =	shalt  }
0x85: {  	_ =	shalt  }
0x86: {  	_ =	shalt  }
0x87: {  	_ =	shalt  }
.Lfunc_end0:
.L_simem_size_0:
called_computation_lowered:
.L_overlay_start_0:
0x88: {  	s2 =	sld [smem:$0x3FD9]  }
0x89: {  	s3 =	sld [smem:$0x3FFE];
	_ =	sdelay $0x1  }
0x8a: {  	s1 =	srdreg.scid  }
0x8b: {  	s0 =	sand.u32 $0x1, s1  }
0x8c: {  	s14 =	sshll.u32 s0, $0xA;
	s2 =	sadd.s32 s3, s2  }
0x8d: {  	s2 =	sadd.s32 s2, s14  }
0x8e: {  	[smem:$0x3FC0] =	sst s2  }
0x8f: {  	_ = 	snop  }
0x90: {  	s2 =	sld [smem:$0x3FD0];
	_ =	sdelay $0x2  }
0x91: {  	s4 =	simm.s32 $0xA;
	s5 =	simm.s32 $0x10;
	s15 =	sld [smem:$0x3FC8]  }
0x92: {  	[smem:s5], [sflag:s4] =	dma.local [hbm:s2], $0x1  }
0x93: {  	_ =	swait.eq [sflag:s4], $0x1  }
0x94: {  	[sflag:s4] =	ssyncset.done $0x0  }
0x95: {  	[sflag:s4] =	ssyncadd.s32 $0xFFFFFFFF  }
0x96: {  	s16 =	sld [smem:$0x10];
	(tm) =	ssettm $0x1  }
0x97: {  	s17 =	sld [smem:$0x3FFB];
	_ =	sdelay $0x3  }
0x98: {  	_ =	strace s17  }
0x99: {  	s4 =	sld [smem:$0x3FFC];
	_ =	sdelay $0x3  }
0x9a: {  	_ =	strace s4  }
0x9b: {  	s4 =	sld [smem:$0x3FFD];
	_ =	sdelay $0x3  }
0x9c: {  	_ =	strace s4  }
0x9d: {  	_ =	strace $0x8FFFFFFF  }
0x9e: {  	s18 =	sld [smem:$0x3FDB];
	_ =	sdelay $0x1  }
0x9f: {  	s19 =	simm.s32 $_scs_section_size  }
0xa0: {  	s6 =	simm.s32 $_size__tile_overlayer_lowered;
	s7 =	simm.s32 $_tile_overlayer_lowered  }
0xa1: {  	s22 =	simm.s32 $0x1BFF;
	s21 =	sshll.u32 s7, $0x1;
	s4 =	sadd.s32 s19, s18  }
0xa2: {  	s8 =	simm.s32 $0x0;
	s20 =	sshll.u32 s6, $0x1;
	s6 =	sadd.s32 s21, s4  }
0xa3: {  	[timem:s8], [sflag:s22] =	dma.local [hbm:s6], s20  }
0xa4: {  	_ =	swait.ge [sflag:s22], s20  }
0xa5: {  	s5 =	ssub.s32 $0x0, s20;
	[sflag:s22] =	ssyncset.done $0x0  }
0xa6: {  	[sflag:s22] =	ssyncadd.s32 s5;
	_ =	sdelay $0x1  }
0xa7: {  	s23 =	simm.s32 $0x1B8B  }
0xa8: {  	_ =	swait.ge [sflag:s23], $0x1  }
0xa9: {  	[sflag:s23] =	ssyncset.done $0x0  }
0xaa: {  	s25 =	simm.s32 $0x1B8E;
	s24 =	sld [smem:$0x3FFE];
	[sflag:s23] =	ssyncadd.s32 $0xFFFFFFFF  }
0xab: {  	s26 =	simm.s32 $execute0_lowered;
	[smem:$0x3FD2] =	sst s25  }
0xac: {  	s6 =	sshll.u32 s26, $0x1;
	_ =	strace $0x80000046;
	[dreg:$0x1] =	wrdreg $0xFFFFFFFF  }
0xad: {  	s28 =	simm.s32 $_size_execute0_lowered;
	s4 =	sadd.s32 s4, s6;
	[dreg:$0x0] =	wrdreg $0x0  }
0xae: {  	s6 =	sshll.u32 s28, $0x1;
	[dreg:$0x2] =	wrdreg s4  }
0xaf: {  	[dreg:$0x3] =	wrdreg s6  }
0xb0: {  	[dreg:$0x4] =	wrdreg $0xC0  }
0xb1: {  	_ =	task [dreg:s8], $0x5FFFF  }
0xb2: {  	[dreg:$0x1] =	wrdreg $0xFFFFFFFF  }
0xb3: {  	[dreg:$0x0] =	wrdreg $0x60  }
0xb4: {  	[dreg:$0x2] =	wrdreg s24  }
0xb5: {  	[dreg:$0x3] =	wrdreg s15  }
0xb6: {  	[dreg:$0x4] =	wrdreg s16  }
0xb7: {  	[dreg:$0x5] =	wrdreg $0x9  }
0xb8: {  	_ =	task.clear_ibuf [dreg:s8], $0x6FFFF;
	_ =	strace $0x90000046  }
0xb9: {  	s29 =	simm.s32 $0x9;
	_ =	strace $0x80000048  }
0xba: {  	_ =	swait.ge [sflag:s29], $0x1  }
0xbb: {  	[sflag:s29] =	ssyncadd.s32 $0xFFFFFFFF  }
0xbc: {  	_ =	strace $0x90000048  }
0xbd: {  	_ =	sfence  }
0xbe: {  	s30 =	sld [smem:$0x0];
	_ =	sdelay $0x2  }
0xbf: {  	s31 =	sshll.u32 s1, $0xD;
	s1 =	sshrl.u32 s1, $0x2  }
0xc0: {  	s3 =	sand.u32 $0x4000, s31;
	s1 =	sadd.s32 s1, s30  }
0xc1: {  	s0 =	sor.u32 s3, s0;
	s1 =	sshll.u32 s1, $0x11  }
0xc2: {  	s0 =	sor.u32 s1, s0  }
0xc3: {  	s0 =	sadd.s32 $0x8F2B, s0  }
0xc4: {  	[sflag:s0] =	ssyncadd.remote.s32 $0x1  }
0xc5: {  	_ =	sfence.sel $0xFFFF  }
0xc6: {  	[dreg:$0x0] =	wrdreg $0xFFFFFFFF;
	(pc) =	sbr.abs _section_cstart, $3  }
0xc7: {  	[dreg:$0x1] =	wrdreg $0xFFFFFFFF  }
0xc8: {  	_ =	task.clear_ibuf [dreg:s8], $0x2FFFF;
	_ =	strace $0x9FFFFFFF  }
0xc9: {  	(tm) =	ssettm $0x7FFFFFFF  }
tec
execute0_lowered:
.L_overlay_start_1:
0x0: {  	(tag) =	ssettag $0x1  }
0x1: {  	s0 =	rddreg [dreg:$0x0]  }
0x2: {  	s1 =	rddreg [dreg:$0x1]  }
0x3: {  	s3 =	rddreg [dreg:$0x2]  }
0x4: {  	s2 =	simm.s32 $0x0;
	s4 =	srdreg.scid;
	s10 =	stileid.u32  }
0x5: {  	s12 =	simm.s32 $0x2800;
	s16 =	simm.s32 $0x1;
	[smem:$0x7FF] =	sst s2  }
0x6: {  	s4 =	sand.u32 $0x1, s4;
	s5 =	sshll.u32 s10, $0x1;
	s6 =	sadd.s32 $0x1C00, s0  }
0x7: {  	s25 =	sadd.s32 $0x2200, s0;
	_ =	strace $0x80000047;
	[dreg:$0x4] =	wrdreg s6  }
0x8: {  	s18 =	simm.s32 $0x3;
	s5 =	sor.u32 s4, s5;
	[dreg:$0x5] =	wrdreg s25  }
0x9: {  	s4 =	ssub.s32 $0x2, s4;
	s26 =	smul.u32 $0x9C0, s5;
	s7 =	sshll.u32 s5, $0x4  }
0xa: {  	s8 =	sshrl.u32 s4, $0x1;
	s9 =	smul.u32 $0x4E00, s5;
	s28 =	sshll.u32 s5, $0x5  }
0xb: {  	s5 =	smul.u32 $0x4E0, s5;
	s0 =	sadd.s32 s7, s0;
	s4 =	ssub.s32 s4, s8  }
0xc: {  	s8 =	sand.u32 $0x60, s28;
	s30 =	sadd.s32 s7, s3;
	s6 =	sadd.s32 s1, s26  }
0xd: {  	s29 =	sshrl.u32 s9, $0x3;
	s3 =	sadd.s32 s3, s5;
	[dreg:$0x6] =	wrdreg s6  }
0xe: {  	s0 =	sadd.s32 $0x2800, s0;
	s31 =	smax.u32 s4, $0x1;
	[dreg:$0x9] =	wrdreg s3  }
.Ltmp0:
0xf: {  	s6 =	sadd.s32 s1, s29;
	[dreg:$0xb] =	wrdreg s0;
	(pc) =	sbr.rel .LBB2_1-.Ltmp0, $4  }
0x10: {  	s1 =	sadd.s32 s8, s1;
	[dreg:$0xc] =	wrdreg s31;
	s6 =	sadd.s32 $0x4E0, s6  }
0x11: {  	s20 =	simm.s32 $0x5;
	s1 =	sadd.s32 $0x13800, s1;
	[dreg:$0x7] =	wrdreg s6  }
0x12: {  	s21 =	simm.s32 $0x4;
	[dreg:$0x8] =	wrdreg s1;
	s1 =	sadd.s32 $0x9C00, s30  }
0x13: {  	s24 =	simm.s32 $0x0;
	p0 =	sgt.u32 s10, $0x1;
	[dreg:$0xa] =	wrdreg s1  }
.LBB2_7:
0x14: {  	[tilespmem:$0xC680] =	vst v0  }
.LBB2_8:
0x15: {  	s0 =	rddreg [dreg:$0xb];
	s1 =	simm.s32 $0xC680  }
0x16: {  	[hbm4b:s0+s2] =	stream.linear.scatter [tilespmem:s1], [sflag:$0x5], $0x80, $0x38;
	[tilespmem:$0xC700] =	vst v63  }
0x17: {  	_ =	swait.ge [sflag:s20], $0x80  }
0x18: {  	s24 =	sadd.s32 $0x1, s24;
	s31 =	rddreg [dreg:$0xc]  }
0x19: {  	p1 =	sne.s32 s24, s31  }
.Ltmp1:
0x1a: {  	_ = 	snop;
	(pc) =	sbr.rel @!p1 .LBB2_9-.Ltmp1, $3  }
0x1b: {  	_ =	sdelay $0x1  }
0x1c: {  	[sflag:s20] =	ssyncset.done $0x0  }
0x1d: {  	[sflag:s20] =	ssyncadd.s32 $0xFFFFFF80  }
.LBB2_1:
0x1e: {  	s0 =	rddreg [dreg:$0x4]  }
0x1f: {  	[tilespmem:s2], [sflag:$0x1] =	stream.linear.gather [hbm4b:s0+s2], $0x2800, $0x38;
	[tilespmem:$0xC700] =	vst v63  }
0x20: {  	s22 =	rddreg [dreg:$0x5]  }
0x21: {  	[tilespmem:s12], [sflag:$0x1] =	stream.linear.gather [hbm4b:s22+s2], $0x2800, $0x38;
	[tilespmem:$0xC700] =	vst v63  }
0x22: {  	s23 =	rddreg [dreg:$0x6];
	s1 =	simm.s32 $0x5000  }
0x23: {  	[tilespmem:s1], [sflag:$0x2] =	stream.linear.gather [hbm4b:s23+s2], $0x2700, $0x38;
	[tilespmem:$0xC700] =	vst v63  }
0x24: {  	s25 =	rddreg [dreg:$0x7];
	s26 =	simm.s32 $0x7700  }
0x25: {  	[tilespmem:s26], [sflag:$0x3] =	stream.linear.gather [hbm4b:s25+s2], $0x2700, $0x38;
	[tilespmem:$0xC700] =	vst v63  }
0x26: {  	s3 =	rddreg [dreg:$0x8];
	s4 =	simm.s32 $0x9E00  }
0x27: {  	[tilespmem:s4], [sflag:$0x4] =	stream.linear.gather [hbm4b:s3+s2], $0x100, $0x38;
	[tilespmem:$0xC700] =	vst v63  }
0x28: {  	_ =	swait.ge [sflag:s16], $0x2800  }
0x29: {  	[sflag:s16] =	ssyncset.done $0x0  }
0x2a: {  	[sflag:s16] =	ssyncadd.s32 $0xFFFFD800  }
0x2b: {  	s5 =	simm.s32 $0x2;
	_ =	swait.ge [sflag:s16], $0x2800  }
0x2c: {  	s6 =	simm.s32 $0x0;
	s7 =	simm.s32 $0x40;
	[sflag:s16] =	ssyncset.done $0x0  }
0x2d: {  	s0 =	sand.u32 $0x3F00, s6;
	s1 =	sand.u32 $0x40, s7;
	[sflag:s16] =	ssyncadd.s32 $0xFFFFD800  }
0x2e: {  	s25 =	simm.s32 $0x0;
	s3 =	simm.s32 $0x80;
	_ =	swait.ge [sflag:s5], $0x2700  }
0x2f: {  	s4 =	sadd.s32 $0x5000, s0;
	s3 =	sand.u32 $0x7F00, s3;
	[sflag:s5] =	ssyncset.done $0x0  }
0x30: {  	s0 =	sand.u32 $0x40, s25;
	s3 =	sor.u32 s1, s3;
	[sflag:s5] =	ssyncadd.s32 $0xFFFFD900  }
0x31: {  	s22 =	sor.u32 $0x10, s0;
	s5 =	sor.u32 s0, s4;
	v0 =	vld [tilespmem:s3+$0x5080]  }
0x32: {  	s1 =	sor.u32 $0x20, s0;
	s6 =	sor.u32 s22, s4;
	v1 =	vld [tilespmem:s5+$0x80]  }
0x33: {  	s13 =	sor.u32 $0x30, s0;
	s7 =	sor.u32 s1, s4;
	v2 =	vld [tilespmem:s6+$0x80]  }
0x34: {  	s4 =	sor.u32 s13, s4;
	v3 =	vld [tilespmem:s7+$0x80]  }
0x35: {  	v4 =	vld [tilespmem:s4+$0x80]  }
0x36: {  	v5 =	vld [tilespmem:s4+$0x0]  }
0x37: {  	v6 =	vld [tilespmem:s7+$0x0]  }
0x38: {  	s8 =	simm.s32 $0x100;
	v7 =	vld [tilespmem:s5+$0x0]  }
0x39: {  	s9 =	simm.s32 $0x50;
	s10 =	simm.s32 $0xA0;
	v8 =	vld [tilespmem:s6+$0x0];
	s4 =	sand.u32 $0x7F00, s8  }
0x3a: {  	s11 =	simm.s32 $0x60;
	s14 =	simm.s32 $0xC0;
	v9 =	vld [tilespmem:s3+$0x5000];
	s4 =	sor.u32 s0, s4  }
0x3b: {  	s15 =	sand.u32 $0x60, s11;
	s3 =	sand.u32 $0x50, s9;
	s5 =	sand.u32 $0x7F00, s10;
	v10 =	vld [tilespmem:s4+$0x5000]  }
0x3c: {  	s23 =	simm.s32 $0x70;
	s26 =	simm.s32 $0xE0;
	s3 =	sor.u32 s3, s5;
	v11 =	vld [tilespmem:s4+$0x5080]  }
0x3d: {  	s17 =	sand.u32 $0x7F00, s14;
	s5 =	sand.u32 $0x7F00, s26;
	v12 =	vld [tilespmem:s3+$0x5080];
	s4 =	sand.u32 $0x70, s23  }
0x3e: {  	s19 =	sor.u32 s15, s17;
	v13 =	vld [tilespmem:s3+$0x5000];
	s4 =	sor.u32 s4, s5  }
0x3f: {  	s6 =	simm.s32 $0x120;
	s7 =	simm.s32 $0xA0;
	s5 =	simm.s32 $0x90;
	v16 =	vld [tilespmem:s4+$0x5000]  }
0x40: {  	s8 =	simm.s32 $0x140;
	v17 =	vld [tilespmem:s4+$0x5080];
	s3 =	sand.u32 $0x50, s5;
	s4 =	sand.u32 $0x7F00, s6  }
0x41: {  	v14 =	vld [tilespmem:s19+$0x5000];
	s5 =	sand.u32 $0x7F00, s8;
	s3 =	sor.u32 s3, s4;
	s4 =	sand.u32 $0x60, s7  }
0x42: {  	v15 =	vld [tilespmem:s19+$0x5080];
	s10 =	sor.u32 s4, s5  }
0x43: {  	v18 =	vld [tilespmem:s10+$0x5080]  }
0x44: {  	v1 =	vld.idx.msk [tilespmem:v1+s12+$0x0], $0xffff  }
0x45: {  	v2 =	vld.idx.msk [tilespmem:v2+s12+$0x0], $0xffff  }
0x46: {  	v3 =	vld.idx.msk [tilespmem:v3+s12+$0x0], $0xffff  }
0x47: {  	v4 =	vld.idx.msk [tilespmem:v4+s12+$0x0], $0xffff  }
0x48: {  	v6 =	vld.idx.msk [tilespmem:v6+s2+$0x0], $0xffff  }
0x49: {  	v14 =	vld.idx.msk [tilespmem:v14+s2+$0x0], $0xffff  }
0x4a: {  	v15 =	vld.idx.msk [tilespmem:v15+s12+$0x0], $0xffff  }
0x4b: {  	v7 =	vld.idx.msk [tilespmem:v7+s2+$0x0], $0xffff  }
0x4c: {  	v9 =	vld.idx.msk [tilespmem:v9+s2+$0x0], $0xffff  }
0x4d: {  	v16 =	vld.idx.msk [tilespmem:v16+s2+$0x0], $0xffff  }
0x4e: {  	s11 =	simm.s32 $0xB0;
	s9 =	simm.s32 $0x160;
	v17 =	vld.idx.msk [tilespmem:v17+s12+$0x0], $0xffff  }
0x4f: {  	s14 =	sand.u32 $0x7F00, s9;
	s4 =	sand.u32 $0x70, s11;
	v8 =	vld.idx.msk [tilespmem:v8+s2+$0x0], $0xffff  }
0x50: {  	s15 =	sor.u32 s4, s14;
	v0 =	vld.idx.msk [tilespmem:v0+s12+$0x0], $0xffff  }
0x51: {  	v19 =	vld [tilespmem:s15+$0x5000];
	v3 =	vadd.f32 v3, v6  }
0x52: {  	v5 =	vld.idx.msk [tilespmem:v5+s2+$0x0], $0xffff;
	v14 =	vadd.f32 v15, v14  }
0x53: {  	v10 =	vld.idx.msk [tilespmem:v10+s2+$0x0], $0xffff;
	v3 =	vsub.f32 $0.0e+00, v3;
	v15 =	vadd.f32 v17, v16  }
0x54: {  	v11 =	vld.idx.msk [tilespmem:v11+s12+$0x0], $0xffff;
	v14 =	vsub.f32 $0.0e+00, v14  }
0x55: {  	v6 =	vld [tilespmem:s3+$0x5000];
	v3 =	vmul.f32 $1.442695020e+00, v3;
	v15 =	vsub.f32 $0.0e+00, v15  }
0x56: {  	v1 =	vadd.f32 v1, v7;
	v7 =	vld [tilespmem:s15+$0x5080];
	v14 =	vmul.f32 $1.442695020e+00, v14  }
0x57: {  	s31 =	simm.s32 $0xC0;
	s17 =	simm.s32 $0x180;
	v16 =	vld [tilespmem:s3+$0x5080];
	(erf) = vpow2.f32 v3;
	v3 =	vmul.f32 $1.442695020e+00, v15  }
0x58: {  	s26 =	sand.u32 $0x40, s31;
	v0 =	vadd.f32 v0, v9;
	v17 =	vld [tilespmem:s10+$0x5000];
	s3 =	sand.u32 $0x3F00, s17;
	(erf) = vpow2.f32 v14  }
0x59: {  	s28 =	sor.u32 $0x30, s26;
	v12 =	vld.idx.msk [tilespmem:v12+s12+$0x0], $0xffff;
	v2 =	vadd.f32 v2, v8;
	s3 =	sadd.s32 $0x5000, s3;
	(erf) = vpow2.f32 v3  }
0x5a: {  	s29 =	sor.u32 $0x10, s26;
	v8 =	vld.idx.msk [tilespmem:v13+s2+$0x0], $0xffff;
	v1 =	vsub.f32 $0.0e+00, v1;
	v0 =	vsub.f32 $0.0e+00, v0;
	s19 =	sor.u32 s28, s3  }
0x5b: {  	v2 =	vsub.f32 $0.0e+00, v2;
	s8 =	sor.u32 s29, s3;
	v13 =	vld [tilespmem:s19+$0x80];
	v3 =	vadd.f32 v11, v10  }
0x5c: {  	v1 =	vmul.f32 $1.442695020e+00, v1;
	v0 =	vmul.f32 $1.442695020e+00, v0;
	v14 =	vld [tilespmem:s8+$0x80]  }
0x5d: {  	v2 =	vmul.f32 $1.442695020e+00, v2;
	v6 =	vld.idx.msk [tilespmem:v6+s2+$0x0], $0xffff;
	v3 =	vsub.f32 $0.0e+00, v3  }
0x5e: {  	v7 =	vld.idx.msk [tilespmem:v7+s12+$0x0], $0xffff;
	(erf) = vpow2.f32 v1  }
0x5f: {  	v1 =	vld.idx.msk [tilespmem:v18+s12+$0x0], $0xffff;
	(erf) = vpow2.f32 v2;
	v2 =	vmul.f32 $1.442695020e+00, v3  }
0x60: {  	v4 =	vadd.f32 v4, v5;
	v10 =	vld.idx.msk [tilespmem:v17+s2+$0x0], $0xffff;
	(erf) = vpow2.f32 v0;
	v0 =	vpop (erf)  }
0x61: {  	v9 =	vld.idx.msk [tilespmem:v16+s12+$0x0], $0xffff;
	(erf) = vpow2.f32 v2;
	v0 =	vadd.f32 $1.000000000e+00, v0;
	v2 =	vadd.f32 v12, v8;
	v5 =	vpop (erf)  }
0x62: {  	v4 =	vsub.f32 $0.0e+00, v4;
	s23 =	sor.u32 s26, s3;
	v11 =	vld.idx.msk [tilespmem:v19+s2+$0x0], $0xffff;
	v5 =	vadd.f32 $1.000000000e+00, v5;
	v12 =	vpop (erf)  }
0x63: {  	v8 =	vld [tilespmem:s23+$0x80];
	v2 =	vsub.f32 $0.0e+00, v2;
	(erf) = vrcp.f32 v0;
	v12 =	vadd.f32 $1.000000000e+00, v12  }
0x64: {  	s6 =	simm.s32 $0x100;
	s7 =	simm.s32 $0x200;
	v4 =	vmul.f32 $1.442695020e+00, v4;
	v17 =	vld [tilespmem:s8+$0x0];
	(erf) = vrcp.f32 v5  }
0x65: {  	s4 =	sand.u32 $0x40, s6;
	s6 =	sand.u32 $0x7F00, s7;
	v16 =	vld [tilespmem:s23+$0x0];
	v1 =	vadd.f32 v1, v10;
	v2 =	vmul.f32 $1.442695020e+00, v2;
	(erf) = vrcp.f32 v12  }
0x66: {  	s30 =	sor.u32 $0x20, s26;
	s4 =	sor.u32 s4, s6;
	v3 =	vld [tilespmem:s19+$0x0];
	v6 =	vadd.f32 v9, v6;
	(erf) = vpow2.f32 v4  }
0x67: {  	s3 =	sor.u32 s30, s3;
	v0 =	vld [tilespmem:s4+$0x5080];
	v1 =	vsub.f32 $0.0e+00, v1;
	v10 =	vpop (erf)  }
0x68: {  	v5 =	vld [tilespmem:s3+$0x80];
	v9 =	vsub.f32 $0.0e+00, v6;
	v15 =	vpop (erf);
	v10 =	vadd.f32 $1.000000000e+00, v10  }
0x69: {  	v6 =	vld.idx.msk [tilespmem:v14+s12+$0x0], $0xffff;
	v1 =	vmul.f32 $1.442695020e+00, v1;
	(erf) = vpow2.f32 v2;
	v2 =	vpop (erf)  }
0x6a: {  	v12 =	vld [tilespmem:s3+$0x0];
	v2 =	vadd.f32 $1.000000000e+00, v2;
	(erf) = vrcp.f32 v10  }
0x6b: {  	s9 =	simm.s32 $0x280;
	v4 =	vld.idx.msk [tilespmem:v8+s12+$0x0], $0xffff;
	v8 =	vpop (erf);
	(erf) = vpow2.f32 v1;
	v1 =	vadd.f32 $1.000000000e+00, v15  }
0x6c: {  	s11 =	simm.s32 $0x240;
	s10 =	simm.s32 $0x120;
	v17 =	vld.idx.msk [tilespmem:v17+s2+$0x0], $0xffff;
	s3 =	sand.u32 $0x7F00, s9;
	v8 =	vadd.f32 $1.000000000e+00, v8;
	(erf) = vrcp.f32 v2;
	v2 =	vmul.f32 $1.442695020e+00, v9;
	v9 =	vpop (erf)  }
0x6d: {  	s5 =	sand.u32 $0x7F00, s11;
	v7 =	vadd.f32 v7, v11;
	s3 =	sor.u32 s26, s3;
	v10 =	vld [tilespmem:s4+$0x5000];
	s4 =	sand.u32 $0x60, s10;
	v11 =	vpop (erf)  }
0x6e: {  	v14 =	vld [tilespmem:s3+$0x5080];
	s15 =	sor.u32 s4, s5;
	(erf) = vrcp.f32 v8;
	v15 =	vpop (erf)  }
0x6f: {  	s7 =	simm.s32 $0x260;
	s23 =	simm.s32 $0x130;
	v7 =	vsub.f32 $0.0e+00, v7;
	v18 =	vld [tilespmem:s15+$0x5000];
	(erf) = vrcp.f32 v1;
	v1 =	vpop (erf)  }
0x70: {  	s8 =	sand.u32 $0x70, s23;
	v8 =	vld [tilespmem:s3+$0x5000];
	s3 =	sand.u32 $0x7F00, s7;
	(erf) = vpow2.f32 v2;
	v1 =	vadd.f32 $1.000000000e+00, v1  }
0x71: {  	v7 =	vmul.f32 $1.442695020e+00, v7;
	v5 =	vld.idx.msk [tilespmem:v5+s12+$0x0], $0xffff;
	s3 =	sor.u32 s8, s3  }
0x72: {  	v21 =	vld [tilespmem:s3+$0x5000]  }
0x73: {  	s14 =	simm.s32 $0x110;
	s17 =	simm.s32 $0x220;
	v12 =	vld.idx.msk [tilespmem:v12+s2+$0x0], $0xffff;
	(erf) = vpow2.f32 v7;
	v20 =	vpop (erf)  }
0x74: {  	s19 =	sand.u32 $0x50, s14;
	s4 =	sand.u32 $0x7F00, s17;
	v7 =	vld [tilespmem:s15+$0x5080];
	(erf) = vrcp.f32 v1;
	v1 =	vpop (erf)  }
0x75: {  	s4 =	sor.u32 s19, s4;
	v23 =	vld [tilespmem:s3+$0x5080];
	v20 =	vadd.f32 $1.000000000e+00, v20;
	v22 =	vpop (erf)  }
0x76: {  	v19 =	vld [tilespmem:s4+$0x5080];
	v24 =	vpop (erf)  }
0x77: {  	v2 =	vld [tilespmem:s4+$0x5000];
	(erf) = vrcp.f32 v20;
	v25 =	vpop (erf)  }
0x78: {  	v26 =	vimm.f32 $0.0e+00;
	v20 =	vmul.f32 $1.009999990e+00, v1;
	v1 =	vld.idx.msk [tilespmem:v13+s12+$0x0], $0xffff;
	v13 =	vpop (erf)  }
0x79: {  	v9 =	vmul.f32 $1.009999990e+00, v9;
	v18 =	vld.idx.msk [tilespmem:v18+s2+$0x0], $0xffff;
	v5 =	vadd.f32 v5, v12;
	v22 =	vadd.f32 $1.000000000e+00, v22;
	v27 =	vpop (erf)  }
0x7a: {  	v12 =	vld.idx.msk [tilespmem:v16+s2+$0x0], $0xffff;
	v20 =	vmin.f32 v20, $1.000000000e+00;
	v13 =	vmul.f32 $1.009999990e+00, v13;
	v27 =	vadd.f32 $1.000000000e+00, v27  }
0x7b: {  	v11 =	vmul.f32 $1.009999990e+00, v11;
	v21 =	vld.idx.msk [tilespmem:v21+s2+$0x0], $0xffff;
	(erf) = vrcp.f32 v22;
	v53 =	vadd.f32 v20, v26  }
0x7c: {  	v56 =	vmin.f32 v9, $1.000000000e+00;
	v7 =	vld.idx.msk [tilespmem:v7+s12+$0x0], $0xffff;
	v28 =	vpop (erf);
	v13 =	vmin.f32 v13, $1.000000000e+00;
	(erf) = vrcp.f32 v27  }
0x7d: {  	v15 =	vmul.f32 $1.009999990e+00, v15;
	v23 =	vld.idx.msk [tilespmem:v23+s12+$0x0], $0xffff;
	v54 =	vadd.f32 $1.000000000e+00, v28;
	v55 =	vpop (erf);
	v22 =	vadd.f32 v13, v53  }
0x7e: {  	s11 =	sand.u32 $0x1F80, s25;
	v57 =	vmin.f32 v11, $1.000000000e+00;
	v14 =	vld.idx.msk [tilespmem:v14+s12+$0x0], $0xffff;
	v11 =	vmul.f32 $1.009999990e+00, v24;
	v9 =	vmul.f32 $1.009999990e+00, v55  }
0x7f: {  	s14 =	sadd.s32 $0x9F00, s11;
	s9 =	simm.s32 $0x150;
	s10 =	simm.s32 $0x2A0;
	v59 =	vmin.f32 v15, $1.000000000e+00;
	v8 =	vld.idx.msk [tilespmem:v8+s2+$0x0], $0xffff;
	(erf) = vrcp.f32 v54;
	v22 =	vadd.f32 v56, v22  }
0x80: {  	s1 =	sor.u32 s1, s14;
	s3 =	sand.u32 $0x50, s9;
	s4 =	sand.u32 $0x7F00, s10;
	v58 =	vld.idx.msk [tilespmem:v10+s2+$0x0], $0xffff;
	v5 =	vsub.f32 $0.0e+00, v5;
	v60 =	vmin.f32 v11, $1.000000000e+00;
	v10 =	vpop (erf);
	v16 =	vmin.f32 v9, $1.000000000e+00  }
0x81: {  	s5 =	sor.u32 s22, s14;
	s17 =	simm.s32 $0x2C0;
	[tilespmem:s1+$0x0] =	vst v56;
	s3 =	sor.u32 s3, s4;
	v7 =	vadd.f32 v7, v18;
	v18 =	vld.idx.msk [tilespmem:v0+s12+$0x0], $0xffff;
	v11 =	vmul.f32 $1.009999990e+00, v10;
	v15 =	vadd.f32 v16, v22  }
0x82: {  	s1 =	simm.s32 $0x9F60;
	s15 =	simm.s32 $0x160;
	v12 =	vadd.f32 v4, v12;
	v21 =	vadd.f32 v23, v21;
	[tilespmem:s5+$0x0] =	vst v13;
	v13 =	vmul.f32 $1.009999990e+00, v25;
	v9 =	vld [tilespmem:s3+$0x5000]  }
0x83: {  	[tilespmem:s1+$0x0] =	vst v57;
	v5 =	vmul.f32 $1.442695020e+00, v5;
	s5 =	sand.u32 $0x60, s15;
	v10 =	vld [tilespmem:s3+$0x5080];
	s3 =	sand.u32 $0x7F00, s17;
	v7 =	vsub.f32 $0.0e+00, v7;
	v15 =	vadd.f32 v60, v15  }
0x84: {  	v3 =	vld.idx.msk [tilespmem:v3+s2+$0x0], $0xffff;
	s4 =	sor.u32 s13, s14;
	[tilespmem:s1+$0x10] =	vst v59;
	v0 =	vmin.f32 v13, $1.000000000e+00;
	v13 =	vadd.f32 v14, v8;
	s3 =	sor.u32 s5, s3;
	v61 =	vmin.f32 v11, $1.000000000e+00;
	v62 =	vpop (erf)  }
0x85: {  	s22 =	simm.s32 $0x170;
	s19 =	simm.s32 $0x2E0;
	[tilespmem:s4+$0x0] =	vst v16;
	v16 =	vld [tilespmem:s3+$0x5000];
	v8 =	vadd.f32 v61, v15;
	v15 =	vsub.f32 $0.0e+00, v21;
	v11 =	vpop (erf);
	(erf) = vpow2.f32 v5  }
0x86: {  	s23 =	simm.s32 $0x80;
	v17 =	vadd.f32 v6, v17;
	[tilespmem:s1+$0xFFFFFFA0] =	vst v20;
	v12 =	vsub.f32 $0.0e+00, v12;
	s5 =	sand.u32 $0x7F00, s19;
	s4 =	sand.u32 $0x70, s22;
	v14 =	vld [tilespmem:s3+$0x5080];
	v7 =	vmul.f32 $1.442695020e+00, v7  }
0x87: {  	[tilespmem:s1+$0xFFFFFFE0] =	vst v60;
	s4 =	sor.u32 s4, s5;
	s3 =	sand.u32 $0x3F80, s23;
	v6 =	vmul.f32 $1.009999990e+00, v62;
	v5 =	vld.idx.msk [tilespmem:v19+s12+$0x0], $0xffff;
	v19 =	vadd.f32 v57, v8;
	v20 =	vmul.f32 $1.442695020e+00, v15  }
0x88: {  	s13 =	simm.s32 $0x460;
	s0 =	sor.u32 s0, s3;
	[tilespmem:s1+$0xFFFFFFF0] =	vst v61;
	v18 =	vadd.f32 v18, v58;
	v63 =	vpop (erf);
	v11 =	vmul.f32 $1.009999990e+00, v11;
	v15 =	vld [tilespmem:s4+$0x5000];
	(erf) = vpow2.f32 v7  }
0x89: {  	s22 =	sand.u32 $0x1F80, s31;
	[tilespmem:s0+$0x9F00] =	vst v0;
	s0 =	simm.s32 $0xA020;
	v7 =	vld [tilespmem:s4+$0x5080];
	v8 =	vmul.f32 $1.009999990e+00, v63;
	v4 =	vadd.f32 v59, v19;
	(erf) = vpow2.f32 v20  }
.LBB2_2:
0x8a: {  	s3 =	sadd.s32 $0xFFFFFEA0, s13;
	s4 =	sadd.s32 $0x100, s31  }
0x8b: {  	s5 =	sadd.s32 $0xFFFFFF20, s13;
	v17 =	vsub.f32 $0.0e+00, v17;
	v2 =	vld.idx.msk [tilespmem:v2+s2+$0x0], $0xffff;
	v0 =	vadd.f32 v0, v4;
	v4 =	vmin.f32 v11, $1.000000000e+00;
	s14 =	smov.u32 s31;
	s23 =	sadd.s32 $0x160, s31  }
0x8c: {  	v6 =	vmin.f32 v6, $1.000000000e+00;
	s31 =	sadd.s32 $0xC0, s31;
	s3 =	sand.u32 $0x3F00, s3;
	s6 =	sand.u32 $0x40, s4;
	v19 =	vmul.f32 $1.442695020e+00, v12;
	v12 =	vsub.f32 $0.0e+00, v18;
	v18 =	vld.idx.msk [tilespmem:v9+s2+$0x0], $0xffff;
	[tilespmem:s1+$0x30] =	vst v4  }
0x8d: {  	v13 =	vsub.f32 $0.0e+00, v13;
	s10 =	sadd.s32 $0x5000, s3;
	s3 =	sadd.s32 $0x150, s14;
	v9 =	vmul.f32 $1.442695020e+00, v17;
	v10 =	vld.idx.msk [tilespmem:v10+s12+$0x0], $0xffff;
	v0 =	vadd.f32 v4, v0;
	[tilespmem:s1+$0x40] =	vst v6  }
0x8e: {  	s7 =	sadd.s32 $0xFFFFFFA0, s13;
	s19 =	sand.u32 $0x40, s31;
	s15 =	sand.u32 $0x50, s3;
	v4 =	vmul.f32 $1.442695020e+00, v12;
	v12 =	vld.idx.msk [tilespmem:v16+s2+$0x0], $0xffff;
	(erf) = vpow2.f32 v19;
	v11 =	vpop (erf)  }
0x8f: {  	s5 =	sand.u32 $0x7F00, s5;
	s9 =	sor.u32 $0x30, s19;
	s8 =	sor.u32 s19, s10;
	v14 =	vld.idx.msk [tilespmem:v14+s12+$0x0], $0xffff;
	(erf) = vpow2.f32 v9;
	v0 =	vadd.f32 v6, v0;
	v6 =	vmin.f32 v8, $1.000000000e+00  }
0x90: {  	s4 =	sor.u32 $0x20, s19;
	s6 =	sor.u32 s6, s5;
	v13 =	vmul.f32 $1.442695020e+00, v13;
	s3 =	sor.u32 $0x10, s19;
	v8 =	vadd.f32 $1.000000000e+00, v11;
	v1 =	vadd.f32 v1, v3;
	v11 =	vld.idx.msk [tilespmem:v15+s2+$0x0], $0xffff;
	[tilespmem:s1+$0x50] =	vst v6  }
0x91: {  	s7 =	sand.u32 $0x7F00, s7;
	s23 =	sand.u32 $0x60, s23;
	s11 =	sor.u32 s3, s10;
	v2 =	vadd.f32 v5, v2;
	v5 =	vld.idx.msk [tilespmem:v7+s12+$0x0], $0xffff;
	(erf) = vpow2.f32 v4;
	v7 =	vpop (erf);
	v9 =	vadd.f32 v6, v0  }
0x92: {  	p1 =	slt.u32 s31, $0x12C0;
	s5 =	sand.u32 $0x1F80, s31;
	s1 =	smov.u32 s0;
	v0 =	vsub.f32 $0.0e+00, v1;
	v4 =	vld [tilespmem:s6+$0x5080];
	v1 =	vadd.f32 $1.000000000e+00, v7;
	(erf) = vpow2.f32 v13  }
0x93: {  	s17 =	sor.u32 s4, s10;
	v2 =	vsub.f32 $0.0e+00, v2;
	v6 =	vld [tilespmem:s8+$0x80];
	(erf) = vrcp.f32 v8;
	v3 =	vpop (erf)  }
0x94: {  	v0 =	vmul.f32 $1.442695020e+00, v0;
	v7 =	vld [tilespmem:s11+$0x80];
	v3 =	vadd.f32 $1.000000000e+00, v3;
	(erf) = vrcp.f32 v1  }
0x95: {  	s10 =	sor.u32 s9, s10;
	v8 =	vadd.f32 v10, v18;
	v10 =	vadd.f32 v14, v12;
	v1 =	vld [tilespmem:s17+$0x80]  }
0x96: {  	v2 =	vmul.f32 $1.442695020e+00, v2;
	v13 =	vld [tilespmem:s10+$0x80];
	(erf) = vrcp.f32 v3  }
0x97: {  	v8 =	vsub.f32 $0.0e+00, v8;
	v3 =	vld [tilespmem:s10+$0x0];
	v12 =	vpop (erf);
	(erf) = vpow2.f32 v0  }
0x98: {  	v10 =	vsub.f32 $0.0e+00, v10;
	v5 =	vadd.f32 v5, v11;
	v14 =	vld [tilespmem:s17+$0x0];
	v11 =	vpop (erf);
	(erf) = vpow2.f32 v2  }
0x99: {  	v17 =	vadd.f32 $1.000000000e+00, v12;
	v12 =	vmul.f32 $1.442695020e+00, v8;
	v0 =	vld [tilespmem:s8+$0x0];
	v11 =	vadd.f32 $1.000000000e+00, v11  }
0x9a: {  	v10 =	vmul.f32 $1.442695020e+00, v10;
	v8 =	vld [tilespmem:s11+$0x0];
	v15 =	vpop (erf)  }
0x9b: {  	v5 =	vsub.f32 $0.0e+00, v5;
	v6 =	vld.idx.msk [tilespmem:v6+s12+$0x0], $0xffff;
	v15 =	vadd.f32 $1.000000000e+00, v15;
	(erf) = vrcp.f32 v17;
	v2 =	vpop (erf)  }
0x9c: {  	v7 =	vld.idx.msk [tilespmem:v7+s12+$0x0], $0xffff;
	v2 =	vadd.f32 $1.000000000e+00, v2;
	v16 =	vpop (erf);
	(erf) = vpow2.f32 v10  }
0x9d: {  	v10 =	vld.idx.msk [tilespmem:v1+s12+$0x0], $0xffff;
	v16 =	vmul.f32 $1.009999990e+00, v16;
	(erf) = vrcp.f32 v15;
	v1 =	vpop (erf)  }
0x9e: {  	s7 =	sor.u32 s19, s7;
	s8 =	sadd.s32 $0xFFFFFF40, s13;
	v15 =	vld [tilespmem:s6+$0x5000];
	s6 =	sadd.s32 $0x110, s14;
	v1 =	vmul.f32 $1.009999990e+00, v1;
	(erf) = vrcp.f32 v2  }
0x9f: {  	s8 =	sand.u32 $0x7F00, s8;
	v2 =	vmul.f32 $1.442695020e+00, v5;
	s6 =	sand.u32 $0x50, s6;
	v17 =	vld [tilespmem:s7+$0x5000];
	(erf) = vrcp.f32 v11;
	v5 =	vpop (erf)  }
0xa0: {  	s10 =	sadd.s32 $0xFFFFFF60, s13;
	s6 =	sor.u32 s6, s8;
	s8 =	sadd.s32 $0x120, s14;
	v11 =	vld [tilespmem:s7+$0x5080];
	v5 =	vmul.f32 $1.009999990e+00, v5;
	v18 =	vpop (erf);
	(erf) = vpow2.f32 v12  }
0xa1: {  	v19 =	vld [tilespmem:s6+$0x5080];
	s7 =	sand.u32 $0x60, s8;
	s8 =	sand.u32 $0x7F00, s10;
	v12 =	vadd.f32 $1.000000000e+00, v18;
	v18 =	vpop (erf);
	(erf) = vpow2.f32 v2  }
0xa2: {  	v2 =	vld [tilespmem:s6+$0x5000];
	s6 =	sor.u32 s7, s8;
	s7 =	sadd.s32 $0x130, s14;
	s8 =	sadd.s32 $0xFFFFFF80, s13;
	v18 =	vadd.f32 $1.000000000e+00, v18  }
0xa3: {  	v21 =	vmin.f32 v1, $1.000000000e+00;
	v20 =	vld [tilespmem:s6+$0x5000];
	s7 =	sand.u32 $0x70, s7;
	s8 =	sand.u32 $0x7F00, s8;
	(erf) = vrcp.f32 v12  }
0xa4: {  	v12 =	vmin.f32 v5, $1.000000000e+00;
	v22 =	vld [tilespmem:s6+$0x5080];
	s6 =	sor.u32 s7, s8;
	[tilespmem:s0+$0x0] =	vst v21;
	v1 =	vpop (erf);
	(erf) = vrcp.f32 v18  }
0xa5: {  	v18 =	vld [tilespmem:s6+$0x5000];
	v1 =	vmul.f32 $1.009999990e+00, v1;
	[tilespmem:s0+$0x10] =	vst v12;
	v5 =	vpop (erf)  }
0xa6: {  	v23 =	vld [tilespmem:s6+$0x5080];
	v24 =	vpop (erf)  }
0xa7: {  	v17 =	vld.idx.msk [tilespmem:v17+s2+$0x0], $0xffff;
	v25 =	vmin.f32 v1, $1.000000000e+00;
	v24 =	vmul.f32 $1.009999990e+00, v24;
	v26 =	vpop (erf)  }
0xa8: {  	v1 =	vld.idx.msk [tilespmem:v13+s12+$0x0], $0xffff;
	[tilespmem:s0+$0xFFFFFFA0] =	vst v25;
	v13 =	vmul.f32 $1.009999990e+00, v26;
	v26 =	vpop (erf)  }
0xa9: {  	v27 =	vadd.f32 $1.000000000e+00, v5;
	v14 =	vld.idx.msk [tilespmem:v14+s2+$0x0], $0xffff;
	v29 =	vmul.f32 $1.009999990e+00, v26;
	v28 =	vpop (erf)  }
0xaa: {  	s6 =	sadd.s32 $0x9F00, s22;
	s22 =	smov.u32 s5;
	v9 =	vadd.f32 v25, v9;
	v5 =	vld.idx.msk [tilespmem:v19+s12+$0x0], $0xffff;
	v19 =	vadd.f32 $1.000000000e+00, v28;
	v25 =	vpop (erf)  }
0xab: {  	s5 =	sor.u32 s29, s6;
	s7 =	sor.u32 s30, s6;
	s6 =	sor.u32 s28, s6;
	v20 =	vld.idx.msk [tilespmem:v20+s2+$0x0], $0xffff;
	v28 =	vmin.f32 v29, $1.000000000e+00;
	v25 =	vadd.f32 $1.000000000e+00, v25;
	(erf) = vrcp.f32 v27  }
0xac: {  	v16 =	vmin.f32 v16, $1.000000000e+00;
	s28 =	smov.u32 s9;
	s29 =	smov.u32 s3;
	s30 =	smov.u32 s4;
	v22 =	vld.idx.msk [tilespmem:v22+s12+$0x0], $0xffff;
	[tilespmem:s5+$0x0] =	vst v28;
	v9 =	vadd.f32 v28, v9;
	v26 =	vpop (erf);
	(erf) = vrcp.f32 v19  }
0xad: {  	v24 =	vmin.f32 v24, $1.000000000e+00;
	v18 =	vld.idx.msk [tilespmem:v18+s2+$0x0], $0xffff;
	[tilespmem:s7+$0x0] =	vst v16;
	v19 =	vmul.f32 $1.009999990e+00, v26;
	v26 =	vpop (erf);
	(erf) = vrcp.f32 v25  }
0xae: {  	v23 =	vld.idx.msk [tilespmem:v23+s12+$0x0], $0xffff;
	v9 =	vadd.f32 v16, v9;
	[tilespmem:s0+$0xFFFFFFE0] =	vst v24;
	v16 =	vmul.f32 $1.009999990e+00, v26  }
0xaf: {  	s3 =	sadd.s32 $0x140, s25;
	s25 =	smov.u32 s14;
	v10 =	vadd.f32 v10, v14;
	v11 =	vld.idx.msk [tilespmem:v11+s12+$0x0], $0xffff;
	v14 =	vmin.f32 v19, $1.000000000e+00  }
0xb0: {  	s4 =	sadd.s32 $0xFFFFFFC0, s13;
	s3 =	sand.u32 $0x3F80, s3;
	v19 =	vld.idx.msk [tilespmem:v0+s2+$0x0], $0xffff;
	[tilespmem:s6+$0x0] =	vst v14;
	v9 =	vadd.f32 v14, v9  }
0xb1: {  	s4 =	sand.u32 $0x7F00, s4;
	s3 =	sor.u32 s26, s3;
	s26 =	smov.u32 s19;
	v10 =	vsub.f32 $0.0e+00, v10;
	v0 =	vmin.f32 v13, $1.000000000e+00;
	v25 =	vld.idx.msk [tilespmem:v15+s2+$0x0], $0xffff  }
0xb2: {  	s4 =	sor.u32 s15, s4;
	v26 =	vld.idx.msk [tilespmem:v8+s2+$0x0], $0xffff;
	v8 =	vadd.f32 v22, v20;
	v14 =	vadd.f32 v24, v9;
	[tilespmem:s3+$0x9F00] =	vst v0  }
0xb3: {  	v15 =	vmul.f32 $1.442695020e+00, v10;
	s3 =	sadd.s32 $0xFFFFFFE0, s13;
	v9 =	vld [tilespmem:s4+$0x5000]  }
0xb4: {  	v20 =	vld.idx.msk [tilespmem:v4+s12+$0x0], $0xffff;
	v4 =	vsub.f32 $0.0e+00, v8  }
0xb5: {  	v16 =	vmin.f32 v16, $1.000000000e+00;
	v22 =	vadd.f32 v23, v18;
	s3 =	sand.u32 $0x7F00, s3;
	v18 =	vpop (erf);
	v13 =	vadd.f32 v11, v17  }
0xb6: {  	s5 =	sand.u32 $0x7F00, s13;
	s3 =	sor.u32 s23, s3;
	v10 =	vld [tilespmem:s4+$0x5080];
	s4 =	sadd.s32 $0x170, s25;
	(erf) = vpow2.f32 v15;
	[tilespmem:s0+$0xFFFFFFF0] =	vst v16;
	v15 =	vadd.f32 v16, v14;
	v11 =	vpop (erf);
	v4 =	vmul.f32 $1.442695020e+00, v4  }
.Ltmp2:
0xb7: {  	v17 =	vsub.f32 $0.0e+00, v22;
	v16 =	vld [tilespmem:s3+$0x5000];
	s4 =	sand.u32 $0x70, s4;
	v11 =	vmul.f32 $1.009999990e+00, v11;
	v8 =	vpop (erf);
	(pc) =	sbr.rel @p1 .LBB2_2-.Ltmp2, $4  }
0xb8: {  	v14 =	vld [tilespmem:s3+$0x5080];
	s3 =	sor.u32 s4, s5;
	v21 =	vadd.f32 v21, v15;
	v8 =	vmul.f32 $1.009999990e+00, v8  }
0xb9: {  	v19 =	vadd.f32 v6, v19;
	v22 =	vmul.f32 $1.442695020e+00, v17;
	v15 =	vld [tilespmem:s3+$0x5000];
	(erf) = vpow2.f32 v4  }
0xba: {  	v6 =	vmul.f32 $1.009999990e+00, v18;
	v17 =	vadd.f32 v7, v26;
	v7 =	vld [tilespmem:s3+$0x5080];
	v4 =	vadd.f32 v12, v21  }
0xbb: {  	s13 =	sadd.s32 $0x180, s13;
	s0 =	sadd.s32 $0xC0, s0;
	v12 =	vsub.f32 $0.0e+00, v19;
	v18 =	vadd.f32 v20, v25;
	v3 =	vld.idx.msk [tilespmem:v3+s2+$0x0], $0xffff;
	(erf) = vpow2.f32 v22  }
0xbc: {  	_ =	sdelay $0x2  }
0xbd: {  	v17 =	vsub.f32 $0.0e+00, v17  }
0xbe: {  	v2 =	vld.idx.msk [tilespmem:v2+s2+$0x0], $0xffff;
	v13 =	vsub.f32 $0.0e+00, v13;
	v12 =	vmul.f32 $1.442695020e+00, v12  }
0xbf: {  	v18 =	vsub.f32 $0.0e+00, v18;
	v17 =	vmul.f32 $1.442695020e+00, v17  }
0xc0: {  	v13 =	vmul.f32 $1.442695020e+00, v13;
	(erf) = vpow2.f32 v12  }
0xc1: {  	v14 =	vld.idx.msk [tilespmem:v14+s12+$0x0], $0xffff;
	v18 =	vmul.f32 $1.442695020e+00, v18  }
0xc2: {  	(erf) = vpow2.f32 v17;
	v1 =	vadd.f32 v1, v3;
	v3 =	vld.idx.msk [tilespmem:v9+s2+$0x0], $0xffff;
	v9 =	vpop (erf)  }
0xc3: {  	(erf) = vpow2.f32 v18;
	v2 =	vadd.f32 v5, v2;
	v5 =	vld.idx.msk [tilespmem:v10+s12+$0x0], $0xffff;
	v9 =	vadd.f32 $1.000000000e+00, v9;
	v10 =	vpop (erf)  }
0xc4: {  	v12 =	vld.idx.msk [tilespmem:v16+s2+$0x0], $0xffff;
	(erf) = vpow2.f32 v13;
	v13 =	vpop (erf)  }
0xc5: {  	(erf) = vrcp.f32 v9;
	v9 =	vadd.f32 $1.000000000e+00, v13  }
0xc6: {  	v1 =	vsub.f32 $0.0e+00, v1;
	v10 =	vadd.f32 $1.000000000e+00, v10  }
0xc7: {  	v15 =	vld.idx.msk [tilespmem:v15+s2+$0x0], $0xffff  }
0xc8: {  	v7 =	vld.idx.msk [tilespmem:v7+s12+$0x0], $0xffff;
	v1 =	vmul.f32 $1.442695020e+00, v1;
	(erf) = vrcp.f32 v10  }
0xc9: {  	v2 =	vsub.f32 $0.0e+00, v2;
	v12 =	vadd.f32 v14, v12;
	(erf) = vrcp.f32 v9;
	v9 =	vpop (erf)  }
0xca: {  	v3 =	vadd.f32 v5, v3;
	v5 =	vadd.f32 $1.000000000e+00, v9  }
0xcb: {  	v2 =	vmul.f32 $1.442695020e+00, v2  }
0xcc: {  	v10 =	vsub.f32 $0.0e+00, v12;
	(erf) = vpow2.f32 v1;
	v1 =	vpop (erf)  }
0xcd: {  	v7 =	vadd.f32 v7, v15;
	(erf) = vpow2.f32 v2;
	v9 =	vpop (erf)  }
0xce: {  	v3 =	vsub.f32 $0.0e+00, v3;
	v2 =	vmul.f32 $1.442695020e+00, v10;
	(erf) = vrcp.f32 v5;
	v5 =	vpop (erf)  }
0xcf: {  	v9 =	vadd.f32 $1.000000000e+00, v9;
	v5 =	vadd.f32 $1.000000000e+00, v5  }
0xd0: {  	v1 =	vadd.f32 $1.000000000e+00, v1;
	(erf) = vpow2.f32 v2  }
0xd1: {  	v2 =	vmul.f32 $1.442695020e+00, v3;
	v3 =	vsub.f32 $0.0e+00, v7;
	(erf) = vrcp.f32 v9  }
0xd2: {  	(erf) = vrcp.f32 v5  }
0xd3: {  	v3 =	vmul.f32 $1.442695020e+00, v3;
	(erf) = vrcp.f32 v1;
	v5 =	vpop (erf)  }
0xd4: {  	v1 =	vpop (erf);
	(erf) = vpow2.f32 v2  }
0xd5: {  	v2 =	vpop (erf)  }
0xd6: {  	v7 =	vpop (erf)  }
0xd7: {  	(erf) = vpow2.f32 v3;
	v3 =	vpop (erf)  }
0xd8: {  	v12 =	vpop (erf)  }
0xd9: {  	v9 =	vpop (erf)  }
0xda: {  	v13 =	vpop (erf)  }
0xdb: {  	v7 =	vadd.f32 $1.000000000e+00, v7;
	v59 =	vpop (erf)  }
0xdc: {  	v3 =	vadd.f32 $1.000000000e+00, v3;
	v14 =	vpop (erf)  }
0xdd: {  	(erf) = vrcp.f32 v7;
	v7 =	vadd.f32 $1.000000000e+00, v9;
	v9 =	vpop (erf)  }
0xde: {  	(erf) = vrcp.f32 v3;
	v3 =	vadd.f32 $1.000000000e+00, v9  }
0xdf: {  	v1 =	vmul.f32 $1.009999990e+00, v1;
	(erf) = vrcp.f32 v7  }
0xe0: {  	v10 =	vpop (erf);
	(erf) = vrcp.f32 v3;
	v3 =	vmul.f32 $1.009999990e+00, v2  }
0xe1: {  	v9 =	vmin.f32 v11, $1.000000000e+00;
	v11 =	vmin.f32 v8, $1.000000000e+00;
	v7 =	vadd.f32 $1.000000000e+00, v10  }
0xe2: {  	[tilespmem:s1+$0x30] =	vst v9;
	v2 =	vmin.f32 v1, $1.000000000e+00;
	v1 =	vmin.f32 v3, $1.000000000e+00;
	v3 =	vmul.f32 $1.009999990e+00, v14  }
0xe3: {  	v5 =	vmul.f32 $1.009999990e+00, v5;
	[tilespmem:s1+$0x50] =	vst v11;
	v10 =	vmin.f32 v6, $1.000000000e+00;
	(erf) = vrcp.f32 v7  }
0xe4: {  	v6 =	vmul.f32 $1.009999990e+00, v12;
	[tilespmem:s1+$0x40] =	vst v10  }
0xe5: {  	[tilespmem:s0+$0x0] =	vst v2  }
0xe6: {  	s23 =	sadd.s32 $0x9F00, s22;
	v15 =	vmin.f32 v6, $1.000000000e+00;
	v6 =	vmul.f32 $1.009999990e+00, v13;
	[tilespmem:s0+$0x10] =	vst v1;
	v14 =	vmin.f32 v3, $1.000000000e+00;
	v3 =	vpop (erf)  }
0xe7: {  	s4 =	sor.u32 s30, s23;
	v13 =	vmin.f32 v5, $1.000000000e+00;
	[tilespmem:s0+$0xFFFFFFA0] =	vst v15;
	v3 =	vmul.f32 $1.009999990e+00, v3;
	v5 =	vpop (erf)  }
0xe8: {  	s25 =	sadd.s32 $0x140, s25;
	s3 =	sor.u32 s29, s23;
	v7 =	vmul.f32 $1.009999990e+00, v59;
	[tilespmem:s4+$0x0] =	vst v13;
	v5 =	vmul.f32 $1.009999990e+00, v5  }
0xe9: {  	v8 =	vmin.f32 v6, $1.000000000e+00;
	[tilespmem:s3+$0x0] =	vst v14;
	s3 =	sand.u32 $0x3F80, s25  }
0xea: {  	v7 =	vmin.f32 v7, $1.000000000e+00;
	[tilespmem:s0+$0xFFFFFFE0] =	vst v8;
	s29 =	sor.u32 s26, s3;
	v6 =	vpop (erf)  }
0xeb: {  	s1 =	sor.u32 s28, s23;
	[tilespmem:s29+$0x9F00] =	vst v7;
	v60 =	vmin.f32 v3, $1.000000000e+00;
	v61 =	vmul.f32 $1.009999990e+00, v6;
	v3 =	vpop (erf)  }
0xec: {  	[tilespmem:s1+$0x0] =	vst v60;
	v12 =	vmin.f32 v5, $1.000000000e+00;
	v3 =	vmul.f32 $1.009999990e+00, v3;
	v5 =	vpop (erf)  }
0xed: {  	[tilespmem:s0+$0xFFFFFFF0] =	vst v12;
	v62 =	vmul.f32 $1.009999990e+00, v5;
	v5 =	vmin.f32 v61, $1.000000000e+00  }
0xee: {  	v6 =	vmin.f32 v3, $1.000000000e+00;
	[tilespmem:s0+$0x40] =	vst v5  }
0xef: {  	[tilespmem:s0+$0x30] =	vst v6;
	v3 =	vmin.f32 v62, $1.000000000e+00  }
0xf0: {  	s31 =	simm.s32 $0x60;
	[tilespmem:s0+$0x50] =	vst v3  }
0xf1: {  	s30 =	simm.s32 $0xC0;
	s4 =	simm.s32 $0x160;
	_ =	swait.ge [sflag:s18], $0x2700  }
0xf2: {  	s1 =	sand.u32 $0x60, s31;
	s0 =	sand.u32 $0x7F00, s30;
	[sflag:s18] =	ssyncset.done $0x0  }
0xf3: {  	s3 =	simm.s32 $0xB0;
	s0 =	sor.u32 s1, s0;
	[sflag:s18] =	ssyncadd.s32 $0xFFFFD900  }
0xf4: {  	s1 =	sand.u32 $0x70, s3;
	s3 =	sand.u32 $0x7F00, s4;
	v19 =	vld [tilespmem:s0+$0x7700]  }
0xf5: {  	s5 =	simm.s32 $0xA0;
	s6 =	simm.s32 $0x140;
	s1 =	sor.u32 s1, s3;
	v20 =	vld [tilespmem:s0+$0x7780]  }
0xf6: {  	s8 =	simm.s32 $0x90;
	s7 =	sand.u32 $0x7F00, s6;
	s0 =	sand.u32 $0x60, s5;
	v63 =	vld [tilespmem:s1+$0x7700]  }
0xf7: {  	s9 =	simm.s32 $0x70;
	s5 =	simm.s32 $0x120;
	v44 =	vld [tilespmem:s1+$0x7780];
	s3 =	sor.u32 s0, s7  }
0xf8: {  	s11 =	simm.s32 $0xE0;
	s4 =	sand.u32 $0x50, s8;
	s5 =	sand.u32 $0x7F00, s5;
	v21 =	vld [tilespmem:s3+$0x7700]  }
0xf9: {  	s6 =	simm.s32 $0x100;
	s0 =	simm.s32 $0x0;
	s4 =	sor.u32 s4, s5;
	v22 =	vld [tilespmem:s3+$0x7780]  }
0xfa: {  	s13 =	simm.s32 $0x50;
	s6 =	sand.u32 $0x7F00, s6;
	s10 =	sand.u32 $0x40, s0;
	v23 =	vld [tilespmem:s4+$0x7700]  }
0xfb: {  	s1 =	sand.u32 $0x70, s9;
	s5 =	sand.u32 $0x7F00, s11;
	s6 =	sor.u32 s10, s6;
	v24 =	vld [tilespmem:s4+$0x7780]  }
0xfc: {  	s15 =	simm.s32 $0x40;
	s17 =	simm.s32 $0x80;
	s1 =	sor.u32 s1, s5;
	v25 =	vld [tilespmem:s6+$0x7700]  }
0xfd: {  	s22 =	sand.u32 $0x40, s15;
	s23 =	sand.u32 $0x7F00, s17;
	s7 =	simm.s32 $0xA0;
	v26 =	vld [tilespmem:s1+$0x7700]  }
0xfe: {  	s14 =	sand.u32 $0x7F00, s7;
	s4 =	sand.u32 $0x50, s13;
	s5 =	sor.u32 s22, s23;
	v27 =	vld [tilespmem:s1+$0x7780]  }
0xff: {  	s19 =	simm.s32 $0x0;
	s4 =	sor.u32 s4, s14;
	v30 =	vld [tilespmem:s5+$0x7700]  }
0x100: {  	s1 =	sand.u32 $0x3F00, s19;
	v28 =	vld [tilespmem:s4+$0x7700]  }
0x101: {  	v29 =	vld [tilespmem:s4+$0x7780];
	s1 =	sor.u32 s10, s1  }
0x102: {  	v0 =	vadd.f32 v0, v4;
	v31 =	vld [tilespmem:s1+$0x7730]  }
0x103: {  	p1 =	por $0x0, $0x0;
	s4 =	simm.s32 $0x1;
	v32 =	vld [tilespmem:s1+$0x7720]  }
0x104: {  	v0 =	vadd.f32 v9, v0;
	s4 =	simm.s32 @!p1 $0x0;
	v33 =	vld [tilespmem:s1+$0x7710]  }
0x105: {  	v34 =	vld [tilespmem:s1+$0x7700];
	s25 =	sshll.u32 s4, $0x6  }
0x106: {  	v0 =	vadd.f32 v10, v0;
	s3 =	sadd.s32 $0xC0, s25;
	v19 =	vld.idx.msk [tilespmem:v19+s2+$0x0], $0xffff  }
0x107: {  	p2 =	por $0x1, $0x1;
	v20 =	vld.idx.msk [tilespmem:v20+s12+$0x0], $0xffff;
	s26 =	sadd.s32 $0x40, s3  }
0x108: {  	v0 =	vadd.f32 v11, v0;
	s4 =	simm.s32 $0x1;
	v18 =	vld.idx.msk [tilespmem:v63+s2+$0x0], $0xffff;
	s29 =	sadd.s32 $0xFFFFFF40, s3;
	s5 =	sor.u32 $0x80, s26  }
0x109: {  	s4 =	simm.s32 @!p2 $0x0;
	s30 =	sadd.s32 $0xFFFFFF50, s3;
	s1 =	sor.u32 $0x80, s29;
	v35 =	vld [tilespmem:s5+$0x7700]  }
0x10a: {  	v0 =	vadd.f32 v15, v0;
	s4 =	sshll.u32 s4, $0x6;
	s31 =	sor.u32 $0x80, s30;
	v36 =	vld [tilespmem:s1+$0x7700]  }
0x10b: {  	s4 =	sadd.s32 $0x0, s4;
	v37 =	vld [tilespmem:s31+$0x7700];
	s5 =	sadd.s32 $0xFFFFFF60, s3  }
0x10c: {  	v0 =	vadd.f32 v14, v0;
	s4 =	sadd.s32 $0x80, s4;
	v14 =	vld.idx.msk [tilespmem:v23+s2+$0x0], $0xffff;
	s1 =	sor.u32 $0x80, s5  }
0x10d: {  	s3 =	sadd.s32 $0xFFFFFF70, s3;
	s4 =	sor.u32 $0x80, s4;
	v39 =	vld [tilespmem:s1+$0x7700]  }
0x10e: {  	s6 =	sor.u32 $0x80, s3;
	v38 =	vld [tilespmem:s4+$0x7700]  }
0x10f: {  	v40 =	vld [tilespmem:s6+$0x7700]  }
0x110: {  	v33 =	vld.idx.msk [tilespmem:v33+s2+$0x0], $0xffff  }
0x111: {  	v34 =	vld.idx.msk [tilespmem:v34+s2+$0x0], $0xffff  }
0x112: {  	v36 =	vld.idx.msk [tilespmem:v36+s12+$0x0], $0xffff  }
0x113: {  	v32 =	vld.idx.msk [tilespmem:v32+s2+$0x0], $0xffff  }
0x114: {  	v4 =	vld.idx.msk [tilespmem:v37+s12+$0x0], $0xffff  }
0x115: {  	v9 =	vld.idx.msk [tilespmem:v39+s12+$0x0], $0xffff  }
0x116: {  	v0 =	vadd.f32 v13, v0;
	v30 =	vld.idx.msk [tilespmem:v30+s2+$0x0], $0xffff  }
0x117: {  	v31 =	vld.idx.msk [tilespmem:v31+s2+$0x0], $0xffff;
	v34 =	vadd.f32 v36, v34  }
0x118: {  	v0 =	vadd.f32 v60, v0;
	v10 =	vld.idx.msk [tilespmem:v40+s12+$0x0], $0xffff  }
0x119: {  	v28 =	vld.idx.msk [tilespmem:v28+s2+$0x0], $0xffff;
	v4 =	vadd.f32 v4, v33;
	v45 =	vsub.f32 $0.0e+00, v34  }
0x11a: {  	v0 =	vadd.f32 v8, v0;
	v11 =	vld.idx.msk [tilespmem:v38+s12+$0x0], $0xffff;
	v9 =	vadd.f32 v9, v32  }
0x11b: {  	v15 =	vld.idx.msk [tilespmem:v29+s12+$0x0], $0xffff;
	v4 =	vsub.f32 $0.0e+00, v4;
	v46 =	vmul.f32 $1.442695020e+00, v45  }
0x11c: {  	v0 =	vadd.f32 v12, v0;
	v26 =	vld.idx.msk [tilespmem:v26+s2+$0x0], $0xffff;
	v9 =	vsub.f32 $0.0e+00, v9  }
0x11d: {  	s7 =	simm.s32 $0x120;
	s25 =	simm.s32 $0x240;
	v13 =	vld.idx.msk [tilespmem:v27+s12+$0x0], $0xffff;
	v10 =	vadd.f32 v10, v31;
	v4 =	vmul.f32 $1.442695020e+00, v4;
	(erf) = vpow2.f32 v46  }
0x11e: {  	v0 =	vadd.f32 v2, v0;
	s8 =	sand.u32 $0x7F00, s25;
	v47 =	vld.idx.msk [tilespmem:v25+s2+$0x0], $0xffff;
	v12 =	vadd.f32 v20, v19;
	s1 =	sand.u32 $0x60, s7;
	v9 =	vmul.f32 $1.442695020e+00, v9  }
0x11f: {  	s1 =	sor.u32 s1, s8;
	v48 =	vld.idx.msk [tilespmem:v35+s12+$0x0], $0xffff;
	v11 =	vadd.f32 v11, v30;
	v10 =	vsub.f32 $0.0e+00, v10;
	(erf) = vpow2.f32 v4  }
0x120: {  	v2 =	vsub.f32 $0.0e+00, v12;
	v12 =	vld [tilespmem:s1+$0x7700];
	v15 =	vadd.f32 v15, v28;
	(erf) = vpow2.f32 v9  }
0x121: {  	v8 =	vsub.f32 $0.0e+00, v11;
	v11 =	vld.idx.msk [tilespmem:v21+s2+$0x0], $0xffff;
	v10 =	vmul.f32 $1.442695020e+00, v10  }
0x122: {  	v15 =	vsub.f32 $0.0e+00, v15;
	v4 =	vld.idx.msk [tilespmem:v24+s12+$0x0], $0xffff  }
0x123: {  	s9 =	simm.s32 $0x170;
	s11 =	simm.s32 $0x160;
	s10 =	simm.s32 $0x2E0;
	v8 =	vmul.f32 $1.442695020e+00, v8;
	v9 =	vld.idx.msk [tilespmem:v22+s12+$0x0], $0xffff;
	(erf) = vpow2.f32 v10  }
0x124: {  	s13 =	simm.s32 $0x2C0;
	s3 =	sand.u32 $0x70, s9;
	s4 =	sand.u32 $0x7F00, s10;
	v15 =	vmul.f32 $1.442695020e+00, v15;
	v16 =	vadd.f32 v48, v47;
	v10 =	vadd.f32 v13, v26;
	v13 =	vld.idx.msk [tilespmem:v44+s12+$0x0], $0xffff  }
0x125: {  	v49 =	vadd.f32 v1, v0;
	s14 =	sand.u32 $0x7F00, s13;
	s3 =	sor.u32 s3, s4;
	v2 =	vmul.f32 $1.442695020e+00, v2;
	(erf) = vpow2.f32 v8;
	v8 =	vld [tilespmem:s1+$0x7780];
	s1 =	sand.u32 $0x60, s11  }
0x126: {  	s15 =	simm.s32 $0x150;
	s17 =	simm.s32 $0x2A0;
	v0 =	vld [tilespmem:s3+$0x7700];
	v10 =	vsub.f32 $0.0e+00, v10;
	(erf) = vpow2.f32 v15;
	s1 =	sor.u32 s1, s14;
	v15 =	vsub.f32 $0.0e+00, v16;
	v1 =	vpop (erf)  }
0x127: {  	s22 =	sand.u32 $0x50, s15;
	s23 =	sand.u32 $0x7F00, s17;
	s31 =	simm.s32 $0x260;
	v14 =	vadd.f32 v4, v14;
	(erf) = vpow2.f32 v2;
	v4 =	vld [tilespmem:s1+$0x7700];
	v50 =	vadd.f32 $1.000000000e+00, v1  }
0x128: {  	s19 =	simm.s32 $0x130;
	s5 =	sand.u32 $0x7F00, s31;
	s10 =	simm.s32 $0x100;
	v2 =	vld [tilespmem:s1+$0x7780];
	v10 =	vmul.f32 $1.442695020e+00, v10;
	v11 =	vadd.f32 v9, v11;
	v15 =	vmul.f32 $1.442695020e+00, v15;
	v51 =	vpop (erf)  }
0x129: {  	s4 =	sor.u32 s22, s23;
	s11 =	simm.s32 $0x200;
	v13 =	vadd.f32 v13, v18;
	v1 =	vld [tilespmem:s3+$0x7780];
	s3 =	sand.u32 $0x70, s19;
	v16 =	vadd.f32 $1.000000000e+00, v51;
	v9 =	vpop (erf);
	(erf) = vrcp.f32 v50  }
0x12a: {  	s14 =	sand.u32 $0x40, s10;
	s15 =	sand.u32 $0x7F00, s11;
	v14 =	vsub.f32 $0.0e+00, v14;
	s3 =	sor.u32 s3, s5;
	v52 =	vadd.f32 $1.000000000e+00, v9;
	v9 =	vld [tilespmem:s4+$0x7780];
	(erf) = vpow2.f32 v10  }
0x12b: {  	v56 =	vsub.f32 $0.0e+00, v13;
	s5 =	sor.u32 s14, s15;
	v13 =	vld [tilespmem:s3+$0x7780];
	(erf) = vrcp.f32 v16  }
0x12c: {  	s7 =	simm.s32 $0x110;
	s8 =	simm.s32 $0x220;
	v53 =	vsub.f32 $0.0e+00, v11;
	v14 =	vmul.f32 $1.442695020e+00, v14;
	v54 =	vpop (erf);
	v19 =	vld [tilespmem:s5+$0x7700];
	(erf) = vpow2.f32 v15  }
0x12d: {  	s9 =	sand.u32 $0x7F00, s8;
	v10 =	vld [tilespmem:s4+$0x7700];
	v55 =	vadd.f32 $1.000000000e+00, v54;
	s4 =	sand.u32 $0x50, s7;
	(erf) = vrcp.f32 v52  }
0x12e: {  	s13 =	simm.s32 $0x180;
	s26 =	simm.s32 $0xC0;
	v57 =	vpop (erf);
	v16 =	vmul.f32 $1.442695020e+00, v53;
	s4 =	sor.u32 s4, s9;
	v15 =	vadd.f32 v7, v49;
	v7 =	vld [tilespmem:s3+$0x7700];
	(erf) = vpow2.f32 v14  }
0x12f: {  	s30 =	sand.u32 $0x40, s26;
	v17 =	vld [tilespmem:s4+$0x7700];
	s3 =	sand.u32 $0x3F00, s13;
	v14 =	vadd.f32 $1.000000000e+00, v57;
	(erf) = vrcp.f32 v55  }
0x130: {  	p1 =	por !p1, !p1;
	s1 =	sor.u32 s30, s3;
	(erf) = vpow2.f32 v16;
	v16 =	vld [tilespmem:s4+$0x7780];
	s4 =	simm.s32 $0x1  }
0x131: {  	v6 =	vadd.f32 v6, v15;
	v63 =	vld [tilespmem:s1+$0x7700];
	s4 =	simm.s32 @!p1 $0x0  }
0x132: {  	s29 =	simm.s32 $0x280;
	v58 =	vpop (erf);
	v49 =	vld.idx.msk [tilespmem:v12+s2+$0x0], $0xffff;
	s17 =	sshll.u32 s4, $0x6  }
0x133: {  	p2 =	por !p2, !p2;
	s6 =	sand.u32 $0x7F00, s29;
	v15 =	vmul.f32 $1.442695020e+00, v56;
	v60 =	vld [tilespmem:s1+$0x7720];
	(erf) = vrcp.f32 v14;
	v14 =	vpop (erf);
	s3 =	sadd.s32 $0x240, s17  }
0x134: {  	s6 =	sor.u32 s30, s6;
	v62 =	vld [tilespmem:s1+$0x7710];
	s4 =	simm.s32 $0x1;
	v14 =	vadd.f32 $1.000000000e+00, v14;
	s22 =	sadd.s32 $0xFFFFFF40, s3  }
0x135: {  	v18 =	vadd.f32 $1.000000000e+00, v58;
	v5 =	vadd.f32 v5, v6;
	(erf) = vpow2.f32 v15;
	v15 =	vld [tilespmem:s1+$0x7730];
	v6 =	vpop (erf);
	s19 =	sadd.s32 $0x40, s3;
	s23 =	sadd.s32 $0xFFFFFF50, s3;
	s1 =	sor.u32 $0x80, s22  }
0x136: {  	v6 =	vmul.f32 $1.009999990e+00, v6;
	v59 =	vpop (erf);
	s30 =	sadd.s32 $0xFFFFFF60, s3;
	s3 =	sadd.s32 $0xFFFFFF70, s3;
	s29 =	sor.u32 $0x80, s23;
	v40 =	vld [tilespmem:s1+$0x7700]  }
0x137: {  	v3 =	vadd.f32 v3, v5;
	(erf) = vrcp.f32 v18;
	s4 =	simm.s32 @!p2 $0x0;
	v5 =	vadd.f32 $1.000000000e+00, v59;
	v61 =	vpop (erf);
	s31 =	sor.u32 $0x80, s3;
	v42 =	vld [tilespmem:s29+$0x7700]  }
0x138: {  	s4 =	sshll.u32 s4, $0x6;
	(erf) = vrcp.f32 v14;
	v6 =	vmin.f32 v6, $1.000000000e+00;
	v47 =	vld [tilespmem:s31+$0x7700];
	v14 =	vpop (erf)  }
0x139: {  	s4 =	sadd.s32 $0x180, s4;
	v18 =	vmul.f32 $1.009999990e+00, v61;
	s1 =	sor.u32 $0x80, s30;
	v22 =	vld.idx.msk [tilespmem:v63+s2+$0x0], $0xffff;
	(erf) = vrcp.f32 v5;
	v14 =	vadd.f32 $1.000000000e+00, v14  }
0x13a: {  	s4 =	sadd.s32 $0x80, s4;
	v3 =	vadd.f32 v6, v3;
	v45 =	vld [tilespmem:s1+$0x7700];
	v36 =	vpop (erf)  }
0x13b: {  	v20 =	vld.idx.msk [tilespmem:v60+s2+$0x0], $0xffff;
	s4 =	sor.u32 $0x80, s4;
	v5 =	vmin.f32 v18, $1.000000000e+00;
	v38 =	vmul.f32 $1.009999990e+00, v36;
	v39 =	vpop (erf)  }
0x13c: {  	v43 =	vld [tilespmem:s4+$0x7700];
	v3 =	vadd.f32 v5, v3;
	v23 =	vadd.f32 $1.000000000e+00, v39;
	v41 =	vpop (erf);
	(erf) = vrcp.f32 v14  }
0x13d: {  	v15 =	vld.idx.msk [tilespmem:v15+s2+$0x0], $0xffff;
	v18 =	vmin.f32 v38, $1.000000000e+00;
	v26 =	vmul.f32 $1.009999990e+00, v41;
	v14 =	vpop (erf)  }
0x13e: {  	v3 =	vadd.f32 v18, v3;
	(erf) = vrcp.f32 v23;
	v14 =	vadd.f32 $1.000000000e+00, v14;
	v44 =	vpop (erf);
	v25 =	vld.idx.msk [tilespmem:v40+s12+$0x0], $0xffff  }
0x13f: {  	v26 =	vmin.f32 v26, $1.000000000e+00;
	v29 =	vmul.f32 $1.009999990e+00, v44;
	v46 =	vpop (erf);
	v54 =	vld.idx.msk [tilespmem:v42+s12+$0x0], $0xffff  }
0x140: {  	v3 =	vadd.f32 v26, v3;
	v31 =	vld.idx.msk [tilespmem:v47+s12+$0x0], $0xffff;
	v48 =	vpop (erf);
	(erf) = vrcp.f32 v14;
	v51 =	vadd.f32 $1.000000000e+00, v46  }
0x141: {  	v14 =	vld.idx.msk [tilespmem:v62+s2+$0x0], $0xffff;
	v12 =	vmin.f32 v29, $1.000000000e+00;
	v50 =	vmul.f32 $1.009999990e+00, v48;
	v52 =	vpop (erf)  }
0x142: {  	v30 =	vld.idx.msk [tilespmem:v45+s12+$0x0], $0xffff;
	v3 =	vadd.f32 v12, v3;
	v53 =	vpop (erf);
	(erf) = vrcp.f32 v51  }
0x143: {  	v11 =	vld [tilespmem:s6+$0x7700];
	v23 =	vmul.f32 $1.009999990e+00, v52;
	v29 =	vmin.f32 v50, $1.000000000e+00  }
0x144: {  	s0 =	sand.u32 $0x1FC0, s0;
	v19 =	vld.idx.msk [tilespmem:v19+s2+$0x0], $0xffff;
	s5 =	sor.u32 $0x80, s19;
	v55 =	vmul.f32 $1.009999990e+00, v53;
	v3 =	vadd.f32 v29, v3  }
0x145: {  	s28 =	simm.s32 $0xB330;
	v37 =	vld [tilespmem:s5+$0x7700];
	[tilespmem:s0+$0xB280] =	vst v6;
	v23 =	vmin.f32 v23, $1.000000000e+00;
	v56 =	vpop (erf);
	v59 =	vadd.f32 v25, v22;
	v15 =	vadd.f32 v31, v15  }
0x146: {  	[tilespmem:s28+$0xFFFFFF60] =	vst v5;
	v28 =	vld.idx.msk [tilespmem:v43+s12+$0x0], $0xffff;
	v32 =	vmul.f32 $1.009999990e+00, v56;
	v14 =	vadd.f32 v54, v14;
	v3 =	vadd.f32 v23, v3  }
0x147: {  	[tilespmem:s28+$0xFFFFFF70] =	vst v18;
	v62 =	vld.idx.msk [tilespmem:v8+s12+$0x0], $0xffff;
	v27 =	vmin.f32 v55, $1.000000000e+00;
	v8 =	vadd.f32 v30, v20;
	v57 =	vpop (erf);
	v18 =	vsub.f32 $0.0e+00, v59  }
0x148: {  	v4 =	vld.idx.msk [tilespmem:v4+s2+$0x0], $0xffff;
	[tilespmem:s28+$0xFFFFFF80] =	vst v26;
	v6 =	vmin.f32 v32, $1.000000000e+00;
	v58 =	vmul.f32 $1.009999990e+00, v57;
	v3 =	vadd.f32 v27, v3  }
0x149: {  	v17 =	vld.idx.msk [tilespmem:v17+s2+$0x0], $0xffff;
	[tilespmem:s28+$0xFFFFFF90] =	vst v12;
	v14 =	vsub.f32 $0.0e+00, v14;
	v8 =	vsub.f32 $0.0e+00, v8;
	v18 =	vmul.f32 $1.442695020e+00, v18;
	v5 =	vpop (erf)  }
0x14a: {  	v16 =	vld.idx.msk [tilespmem:v16+s12+$0x0], $0xffff;
	[tilespmem:s28+$0xFFFFFFA0] =	vst v29;
	v60 =	vmin.f32 v58, $1.000000000e+00;
	v3 =	vadd.f32 v6, v3;
	v5 =	vmul.f32 $1.009999990e+00, v5  }
0x14b: {  	v7 =	vld.idx.msk [tilespmem:v7+s2+$0x0], $0xffff;
	[tilespmem:s0+$0xB300] =	vst v6;
	v6 =	vmul.f32 $1.442695020e+00, v14;
	(erf) = vpow2.f32 v18;
	v14 =	vadd.f32 v28, v19;
	v12 =	vpop (erf)  }
0x14c: {  	[tilespmem:s28+$0xFFFFFFB0] =	vst v23;
	v3 =	vadd.f32 v60, v3;
	v61 =	vmin.f32 v5, $1.000000000e+00;
	v5 =	vmul.f32 $1.009999990e+00, v12;
	v12 =	vld.idx.msk [tilespmem:v10+s2+$0x0], $0xffff  }
0x14d: {  	[tilespmem:s28+$0xFFFFFFC0] =	vst v27;
	v10 =	vld.idx.msk [tilespmem:v13+s12+$0x0], $0xffff;
	v13 =	vsub.f32 $0.0e+00, v15;
	v15 =	vmul.f32 $1.442695020e+00, v8;
	(erf) = vpow2.f32 v6  }
0x14e: {  	[tilespmem:s28+$0xFFFFFFE0] =	vst v60;
	v8 =	vld.idx.msk [tilespmem:v37+s12+$0x0], $0xffff;
	v14 =	vsub.f32 $0.0e+00, v14;
	v3 =	vadd.f32 v61, v3;
	v63 =	vmin.f32 v5, $1.000000000e+00  }
0x14f: {  	[tilespmem:s28+$0xFFFFFFF0] =	vst v61;
	v5 =	vld.idx.msk [tilespmem:v11+s2+$0x0], $0xffff;
	v11 =	vadd.f32 v16, v17;
	v13 =	vmul.f32 $1.442695020e+00, v13;
	(erf) = vpow2.f32 v15  }
0x150: {  	s0 =	sand.u32 $0x1FC0, s26;
	v6 =	vld.idx.msk [tilespmem:v9+s12+$0x0], $0xffff;
	v9 =	vadd.f32 v62, v49;
	[tilespmem:s28+$0x0] =	vst v63;
	v3 =	vadd.f32 v63, v3  }
.LBB2_4:
0x151: {  	s1 =	sadd.s32 $0x120, s26;
	v14 =	vmul.f32 $1.442695020e+00, v14;
	v11 =	vsub.f32 $0.0e+00, v11;
	v2 =	vld.idx.msk [tilespmem:v2+s12+$0x0], $0xffff;
	s25 =	sadd.s32 $0x180, s25;
	(erf) = vpow2.f32 v13;
	s3 =	smov.u32 s26  }
0x152: {  	v7 =	vadd.f32 v10, v7;
	s1 =	sand.u32 $0x60, s1;
	s4 =	sand.u32 $0x7F00, s25;
	v15 =	vsub.f32 $0.0e+00, v9;
	v10 =	vld.idx.msk [tilespmem:v0+s2+$0x0], $0xffff  }
0x153: {  	s5 =	sadd.s32 $0xA0, s25;
	s1 =	sor.u32 s1, s4;
	s4 =	sadd.s32 $0x170, s26;
	v0 =	vmul.f32 $1.442695020e+00, v11;
	v11 =	vld.idx.msk [tilespmem:v1+s12+$0x0], $0xffff;
	(erf) = vpow2.f32 v14  }
0x154: {  	s5 =	sand.u32 $0x7F00, s5;
	v7 =	vsub.f32 $0.0e+00, v7;
	v8 =	vadd.f32 v8, v5;
	v9 =	vld [tilespmem:s1+$0x7700];
	s4 =	sand.u32 $0x70, s4;
	v1 =	vmul.f32 $1.442695020e+00, v15;
	v13 =	vpop (erf)  }
0x155: {  	s6 =	sadd.s32 $0x80, s25;
	v6 =	vadd.f32 v6, v12;
	v5 =	vld [tilespmem:s1+$0x7780];
	s1 =	sadd.s32 $0x160, s26;
	s4 =	sor.u32 s4, s5;
	v15 =	vadd.f32 $1.000000000e+00, v13;
	(erf) = vpow2.f32 v0  }
0x156: {  	s7 =	sadd.s32 $0x60, s25;
	s5 =	sand.u32 $0x7F00, s6;
	v7 =	vmul.f32 $1.442695020e+00, v7;
	v8 =	vsub.f32 $0.0e+00, v8;
	s1 =	sand.u32 $0x60, s1;
	v0 =	vld [tilespmem:s4+$0x7700];
	v12 =	vpop (erf);
	(erf) = vpow2.f32 v1  }
0x157: {  	s6 =	sadd.s32 $0x150, s26;
	v16 =	vadd.f32 v2, v4;
	s1 =	sor.u32 s1, s5;
	v1 =	vld [tilespmem:s4+$0x7780];
	v12 =	vadd.f32 $1.000000000e+00, v12;
	(erf) = vrcp.f32 v15;
	s4 =	sadd.s32 $0x130, s26  }
0x158: {  	p1 =	por !p1, !p1;
	v6 =	vsub.f32 $0.0e+00, v6;
	s5 =	sand.u32 $0x50, s6;
	s6 =	sand.u32 $0x7F00, s7;
	v8 =	vmul.f32 $1.442695020e+00, v8;
	v4 =	vld [tilespmem:s1+$0x7700];
	v13 =	vpop (erf);
	(erf) = vpow2.f32 v7  }
0x159: {  	s26 =	sadd.s32 $0xC0, s26;
	s7 =	sadd.s32 $0x40, s25;
	s5 =	sor.u32 s5, s6;
	v10 =	vadd.f32 v11, v10;
	v2 =	vld [tilespmem:s1+$0x7780];
	v13 =	vadd.f32 $1.000000000e+00, v13;
	(erf) = vrcp.f32 v12  }
0x15a: {  	s6 =	sand.u32 $0x40, s26;
	s7 =	sand.u32 $0x7F00, s7;
	v11 =	vmul.f32 $1.442695020e+00, v6;
	s1 =	sadd.s32 $0x20, s25;
	v12 =	vsub.f32 $0.0e+00, v16;
	v7 =	vld [tilespmem:s5+$0x7700];
	v14 =	vpop (erf);
	(erf) = vpow2.f32 v8  }
0x15b: {  	s4 =	sand.u32 $0x70, s4;
	s7 =	sor.u32 s6, s7;
	s1 =	sand.u32 $0x7F00, s1;
	v6 =	vld [tilespmem:s5+$0x7780];
	v14 =	vadd.f32 $1.000000000e+00, v14;
	(erf) = vrcp.f32 v13  }
0x15c: {  	s8 =	sadd.s32 $0xFFFFFFE0, s25;
	v16 =	vsub.f32 $0.0e+00, v10;
	s5 =	sadd.s32 $0x110, s3;
	s4 =	sor.u32 s4, s1;
	v12 =	vmul.f32 $1.442695020e+00, v12;
	v8 =	vld [tilespmem:s7+$0x7700];
	v15 =	vpop (erf);
	(erf) = vpow2.f32 v11  }
0x15d: {  	s1 =	sand.u32 $0x1FC0, s26;
	s5 =	sand.u32 $0x50, s5;
	s7 =	sand.u32 $0x7F00, s8;
	v10 =	vld [tilespmem:s4+$0x7700];
	v18 =	vadd.f32 $1.000000000e+00, v15;
	(erf) = vrcp.f32 v14  }
0x15e: {  	s3 =	sadd.s32 $0x100, s3;
	s8 =	sadd.s32 $0xFFFFFFC0, s25;
	s5 =	sor.u32 s5, s7;
	v14 =	vmul.f32 $1.442695020e+00, v16;
	v11 =	vld [tilespmem:s4+$0x7780];
	v13 =	vpop (erf);
	(erf) = vpow2.f32 v12  }
0x15f: {  	s3 =	sand.u32 $0x40, s3;
	s7 =	sand.u32 $0x7F00, s8;
	s4 =	sadd.s32 $0xFFFFFF40, s25;
	v12 =	vld [tilespmem:s5+$0x7700];
	v20 =	vadd.f32 $1.000000000e+00, v13;
	(erf) = vrcp.f32 v18;
	v15 =	vpop (erf)  }
0x160: {  	s3 =	sor.u32 s3, s7;
	s8 =	sand.u32 $0x3F00, s4;
	v13 =	vld [tilespmem:s5+$0x7780];
	v17 =	vpop (erf);
	(erf) = vpow2.f32 v14;
	s5 =	simm.s32 $0x1  }
0x161: {  	s6 =	sor.u32 s6, s8;
	v21 =	vadd.f32 $1.000000000e+00, v15;
	s5 =	simm.s32 @!p1 $0x0;
	v18 =	vld [tilespmem:s3+$0x7700];
	v23 =	vmul.f32 $1.009999990e+00, v17;
	(erf) = vrcp.f32 v20;
	v16 =	vpop (erf)  }
0x162: {  	p3 =	slt.u32 s26, $0x12C0;
	s3 =	sshll.u32 s5, $0x6;
	v17 =	vld [tilespmem:s6+$0x7730];
	v16 =	vadd.f32 $1.000000000e+00, v16;
	v19 =	vpop (erf)  }
0x163: {  	p2 =	por !p2, !p2;
	s5 =	simm.s32 $0x1;
	s3 =	sadd.s32 s25, s3;
	v20 =	vld [tilespmem:s6+$0x7720];
	v22 =	vmin.f32 v23, $1.000000000e+00;
	v19 =	vmul.f32 $1.009999990e+00, v19;
	(erf) = vrcp.f32 v21;
	v15 =	vpop (erf)  }
0x164: {  	s28 =	sadd.s32 $0xC0, s28;
	s5 =	simm.s32 @!p2 $0x0;
	v21 =	vld [tilespmem:s6+$0x7710];
	s7 =	sadd.s32 $0x40, s3;
	[tilespmem:s0+$0xB280] =	vst v22;
	v3 =	vadd.f32 v22, v3;
	v14 =	vpop (erf);
	(erf) = vrcp.f32 v16  }
0x165: {  	s5 =	sshll.u32 s5, $0x6;
	v25 =	vadd.f32 $1.000000000e+00, v15;
	v16 =	vld [tilespmem:s6+$0x7700];
	s6 =	sadd.s32 $0xFFFFFF40, s3;
	s7 =	sor.u32 $0x80, s7;
	v19 =	vmin.f32 v19, $1.000000000e+00;
	v28 =	vmul.f32 $1.009999990e+00, v14;
	v23 =	vpop (erf)  }
0x166: {  	s4 =	sadd.s32 s4, s5;
	s5 =	sor.u32 $0x80, s6;
	s6 =	sadd.s32 $0xFFFFFF50, s3;
	v14 =	vld [tilespmem:s7+$0x7700];
	[tilespmem:s28+$0xFFFFFF60] =	vst v19;
	v3 =	vadd.f32 v19, v3;
	v27 =	vadd.f32 $1.000000000e+00, v23;
	v23 =	vpop (erf)  }
0x167: {  	s4 =	sadd.s32 $0x80, s4;
	v24 =	vld [tilespmem:s5+$0x7700];
	s5 =	sor.u32 $0x80, s6;
	v26 =	vmin.f32 v28, $1.000000000e+00;
	v29 =	vmul.f32 $1.009999990e+00, v23;
	(erf) = vrcp.f32 v25;
	v15 =	vpop (erf)  }
0x168: {  	s4 =	sor.u32 $0x80, s4;
	v25 =	vld [tilespmem:s5+$0x7700];
	s5 =	sadd.s32 $0xFFFFFF60, s3;
	[tilespmem:s28+$0xFFFFFF70] =	vst v26;
	v3 =	vadd.f32 v26, v3;
	v15 =	vadd.f32 $1.000000000e+00, v15;
	v22 =	vpop (erf)  }
0x169: {  	s3 =	sadd.s32 $0xFFFFFF70, s3;
	s5 =	sor.u32 $0x80, s5;
	v26 =	vld [tilespmem:s4+$0x7700];
	v28 =	vmin.f32 v29, $1.000000000e+00;
	v22 =	vmul.f32 $1.009999990e+00, v22;
	(erf) = vrcp.f32 v27;
	v19 =	vpop (erf)  }
0x16a: {  	s3 =	sor.u32 $0x80, s3;
	v27 =	vld [tilespmem:s5+$0x7700];
	[tilespmem:s28+$0xFFFFFF80] =	vst v28;
	v3 =	vadd.f32 v28, v3;
	v19 =	vadd.f32 $1.000000000e+00, v19;
	v23 =	vpop (erf)  }
0x16b: {  	v28 =	vld [tilespmem:s3+$0x7700];
	v22 =	vmin.f32 v22, $1.000000000e+00;
	v29 =	vmul.f32 $1.009999990e+00, v23;
	(erf) = vrcp.f32 v15  }
0x16c: {  	v9 =	vld.idx.msk [tilespmem:v9+s2+$0x0], $0xffff;
	[tilespmem:s28+$0xFFFFFF90] =	vst v22;
	v3 =	vadd.f32 v22, v3;
	v15 =	vpop (erf)  }
0x16d: {  	v21 =	vld.idx.msk [tilespmem:v21+s2+$0x0], $0xffff;
	v22 =	vmin.f32 v29, $1.000000000e+00;
	v29 =	vmul.f32 $1.009999990e+00, v15;
	v23 =	vpop (erf);
	(erf) = vrcp.f32 v19  }
0x16e: {  	v16 =	vld.idx.msk [tilespmem:v16+s2+$0x0], $0xffff;
	[tilespmem:s28+$0xFFFFFFA0] =	vst v22;
	v3 =	vadd.f32 v22, v3  }
0x16f: {  	v19 =	vld.idx.msk [tilespmem:v24+s12+$0x0], $0xffff;
	v24 =	vmin.f32 v29, $1.000000000e+00;
	v29 =	vmul.f32 $1.009999990e+00, v23  }
0x170: {  	v23 =	vld.idx.msk [tilespmem:v25+s12+$0x0], $0xffff;
	[tilespmem:s28+$0xFFFFFFB0] =	vst v24;
	v3 =	vadd.f32 v24, v3;
	v15 =	vpop (erf)  }
0x171: {  	v20 =	vld.idx.msk [tilespmem:v20+s2+$0x0], $0xffff;
	v25 =	vmin.f32 v29, $1.000000000e+00;
	v29 =	vmul.f32 $1.009999990e+00, v15  }
0x172: {  	v24 =	vld.idx.msk [tilespmem:v27+s12+$0x0], $0xffff;
	[tilespmem:s28+$0xFFFFFFC0] =	vst v25;
	v3 =	vadd.f32 v25, v3;
	v22 =	vpop (erf)  }
0x173: {  	v17 =	vld.idx.msk [tilespmem:v17+s2+$0x0], $0xffff;
	v27 =	vmin.f32 v29, $1.000000000e+00;
	v22 =	vmul.f32 $1.009999990e+00, v22  }
0x174: {  	v25 =	vld.idx.msk [tilespmem:v28+s12+$0x0], $0xffff;
	[tilespmem:s0+$0xB300] =	vst v27;
	v3 =	vadd.f32 v27, v3;
	v15 =	vpop (erf);
	s0 =	smov.u32 s1  }
0x175: {  	v16 =	vadd.f32 v19, v16;
	v18 =	vld.idx.msk [tilespmem:v18+s2+$0x0], $0xffff;
	v27 =	vmin.f32 v22, $1.000000000e+00;
	v15 =	vmul.f32 $1.009999990e+00, v15  }
0x176: {  	v21 =	vadd.f32 v23, v21;
	v22 =	vld.idx.msk [tilespmem:v26+s12+$0x0], $0xffff;
	[tilespmem:s28+$0xFFFFFFE0] =	vst v27;
	v3 =	vadd.f32 v27, v3;
	v19 =	vpop (erf)  }
0x177: {  	v16 =	vsub.f32 $0.0e+00, v16;
	v23 =	vld.idx.msk [tilespmem:v12+s2+$0x0], $0xffff;
	v12 =	vmin.f32 v15, $1.000000000e+00;
	v15 =	vmul.f32 $1.009999990e+00, v19  }
0x178: {  	v19 =	vadd.f32 v24, v20;
	v13 =	vld.idx.msk [tilespmem:v13+s12+$0x0], $0xffff;
	[tilespmem:s28+$0xFFFFFFF0] =	vst v12;
	v3 =	vadd.f32 v12, v3  }
0x179: {  	v20 =	vsub.f32 $0.0e+00, v21;
	v16 =	vmul.f32 $1.442695020e+00, v16;
	v21 =	vld.idx.msk [tilespmem:v5+s12+$0x0], $0xffff;
	v5 =	vmin.f32 v15, $1.000000000e+00  }
0x17a: {  	v15 =	vadd.f32 v25, v17;
	v12 =	vld.idx.msk [tilespmem:v7+s2+$0x0], $0xffff;
	[tilespmem:s28+$0x0] =	vst v5;
	v3 =	vadd.f32 v5, v3  }
0x17b: {  	v17 =	vmul.f32 $1.442695020e+00, v20;
	v5 =	vsub.f32 $0.0e+00, v19;
	v7 =	vld.idx.msk [tilespmem:v10+s2+$0x0], $0xffff;
	(erf) = vpow2.f32 v16  }
.Ltmp3:
0x17c: {  	v16 =	vadd.f32 v22, v18;
	v10 =	vld.idx.msk [tilespmem:v11+s12+$0x0], $0xffff;
	(pc) =	sbr.rel @p3 .LBB2_4-.Ltmp3, $4  }
0x17d: {  	v15 =	vsub.f32 $0.0e+00, v15;
	v18 =	vmul.f32 $1.442695020e+00, v5;
	v5 =	vld.idx.msk [tilespmem:v8+s2+$0x0], $0xffff;
	(erf) = vpow2.f32 v17  }
0x17e: {  	v11 =	vadd.f32 v13, v23;
	v8 =	vld.idx.msk [tilespmem:v14+s12+$0x0], $0xffff  }
0x17f: {  	v13 =	vmul.f32 $1.442695020e+00, v15;
	v14 =	vsub.f32 $0.0e+00, v16;
	v6 =	vld.idx.msk [tilespmem:v6+s12+$0x0], $0xffff;
	(erf) = vpow2.f32 v18  }
0x180: {  	v9 =	vadd.f32 v21, v9;
	v4 =	vld.idx.msk [tilespmem:v4+s2+$0x0], $0xffff  }
0x181: {  	_ =	sdelay $0x1  }
0x182: {  	v14 =	vmul.f32 $1.442695020e+00, v14  }
0x183: {  	v11 =	vsub.f32 $0.0e+00, v11;
	(erf) = vpow2.f32 v13  }
0x184: {  	v2 =	vld.idx.msk [tilespmem:v2+s12+$0x0], $0xffff;
	v7 =	vadd.f32 v10, v7;
	v9 =	vsub.f32 $0.0e+00, v9;
	(erf) = vpow2.f32 v14  }
0x185: {  	v0 =	vld.idx.msk [tilespmem:v0+s2+$0x0], $0xffff;
	v37 =	vmul.f32 $1.442695020e+00, v11  }
0x186: {  	v1 =	vld.idx.msk [tilespmem:v1+s12+$0x0], $0xffff;
	v7 =	vsub.f32 $0.0e+00, v7;
	v5 =	vadd.f32 v8, v5;
	v9 =	vmul.f32 $1.442695020e+00, v9;
	v38 =	vpop (erf)  }
0x187: {  	v6 =	vadd.f32 v6, v12;
	v8 =	vadd.f32 $1.000000000e+00, v38;
	(erf) = vpow2.f32 v37  }
0x188: {  	v7 =	vmul.f32 $1.442695020e+00, v7;
	v5 =	vsub.f32 $0.0e+00, v5;
	v39 =	vpop (erf);
	(erf) = vpow2.f32 v9  }
0x189: {  	v2 =	vadd.f32 v2, v4;
	v40 =	vadd.f32 $1.000000000e+00, v39;
	(erf) = vrcp.f32 v8  }
0x18a: {  	v42 =	vsub.f32 $0.0e+00, v6;
	v41 =	vmul.f32 $1.442695020e+00, v5;
	v43 =	vpop (erf);
	(erf) = vpow2.f32 v7  }
0x18b: {  	v0 =	vadd.f32 v1, v0;
	v6 =	vadd.f32 $1.000000000e+00, v43;
	(erf) = vrcp.f32 v40  }
0x18c: {  	v1 =	vmul.f32 $1.442695020e+00, v42;
	v44 =	vpop (erf);
	(erf) = vpow2.f32 v41  }
0x18d: {  	v2 =	vsub.f32 $0.0e+00, v2;
	v0 =	vsub.f32 $0.0e+00, v0;
	(erf) = vrcp.f32 v6;
	v46 =	vpop (erf)  }
0x18e: {  	v45 =	vadd.f32 $1.000000000e+00, v44;
	(erf) = vpow2.f32 v1;
	v1 =	vadd.f32 $1.000000000e+00, v46  }
0x18f: {  	v2 =	vmul.f32 $1.442695020e+00, v2  }
0x190: {  	v0 =	vmul.f32 $1.442695020e+00, v0;
	(erf) = vrcp.f32 v45  }
0x191: {  	v47 =	vpop (erf);
	(erf) = vpow2.f32 v2  }
0x192: {  	(erf) = vrcp.f32 v1;
	v1 =	vpop (erf)  }
0x193: {  	v2 =	vpop (erf);
	(erf) = vpow2.f32 v0  }
0x194: {  	v0 =	vpop (erf)  }
0x195: {  	v48 =	vpop (erf)  }
0x196: {  	v49 =	vpop (erf)  }
0x197: {  	v4 =	vadd.f32 $1.000000000e+00, v47;
	v50 =	vpop (erf)  }
0x198: {  	v1 =	vadd.f32 $1.000000000e+00, v1;
	v51 =	vpop (erf)  }
0x199: {  	v2 =	vmul.f32 $1.009999990e+00, v2;
	(erf) = vrcp.f32 v4;
	v0 =	vadd.f32 $1.000000000e+00, v0;
	v52 =	vpop (erf)  }
0x19a: {  	(erf) = vrcp.f32 v1;
	v1 =	vadd.f32 $1.000000000e+00, v49;
	v53 =	vpop (erf)  }
0x19b: {  	v2 =	vmin.f32 v2, $1.000000000e+00;
	(erf) = vrcp.f32 v0;
	v0 =	vadd.f32 $1.000000000e+00, v51;
	v54 =	vpop (erf)  }
0x19c: {  	v5 =	vmul.f32 $1.009999990e+00, v48;
	(erf) = vrcp.f32 v1;
	v1 =	vadd.f32 $1.000000000e+00, v53;
	v55 =	vpop (erf)  }
0x19d: {  	v3 =	vadd.f32 v2, v3;
	(erf) = vrcp.f32 v0;
	v0 =	vadd.f32 $1.000000000e+00, v55  }
0x19e: {  	v5 =	vmin.f32 v5, $1.000000000e+00;
	v56 =	vmul.f32 $1.009999990e+00, v50;
	(erf) = vrcp.f32 v1  }
0x19f: {  	v1 =	vadd.f32 v5, v3;
	(erf) = vrcp.f32 v0  }
0x1a0: {  	v3 =	vmul.f32 $1.009999990e+00, v52;
	v0 =	vmin.f32 v56, $1.000000000e+00  }
0x1a1: {  	s1 =	sadd.s32 $0xC0, s28;
	[tilespmem:s0+$0xB280] =	vst v2;
	v1 =	vadd.f32 v0, v1  }
0x1a2: {  	[tilespmem:s1+$0xFFFFFF60] =	vst v5;
	v57 =	vpop (erf);
	v2 =	vmin.f32 v3, $1.000000000e+00;
	v3 =	vmul.f32 $1.009999990e+00, v54  }
0x1a3: {  	v58 =	vpop (erf);
	[tilespmem:s1+$0xFFFFFF70] =	vst v0;
	v0 =	vadd.f32 v2, v1;
	v1 =	vmul.f32 $1.009999990e+00, v57  }
0x1a4: {  	[tilespmem:s1+$0xFFFFFF80] =	vst v2;
	v2 =	vmin.f32 v3, $1.000000000e+00;
	v3 =	vmul.f32 $1.009999990e+00, v58;
	v59 =	vpop (erf)  }
0x1a5: {  	[tilespmem:s1+$0xFFFFFF90] =	vst v2;
	v0 =	vadd.f32 v2, v0;
	v1 =	vmin.f32 v1, $1.000000000e+00;
	v2 =	vmul.f32 $1.009999990e+00, v59;
	v60 =	vpop (erf)  }
0x1a6: {  	v3 =	vmin.f32 v3, $1.000000000e+00;
	[tilespmem:s1+$0xFFFFFFA0] =	vst v1;
	v4 =	vmul.f32 $1.009999990e+00, v60;
	v61 =	vpop (erf)  }
0x1a7: {  	[tilespmem:s1+$0xFFFFFFB0] =	vst v3;
	v0 =	vadd.f32 v1, v0;
	v1 =	vmin.f32 v2, $1.000000000e+00;
	v2 =	vmul.f32 $1.009999990e+00, v61;
	v62 =	vpop (erf)  }
0x1a8: {  	[tilespmem:s1+$0xFFFFFFC0] =	vst v1;
	v4 =	vmin.f32 v4, $1.000000000e+00;
	v5 =	vmul.f32 $1.009999990e+00, v62;
	v63 =	vpop (erf)  }
0x1a9: {  	v0 =	vadd.f32 v3, v0;
	[tilespmem:s0+$0xB300] =	vst v4;
	v2 =	vmin.f32 v2, $1.000000000e+00;
	v3 =	vmul.f32 $1.009999990e+00, v63  }
0x1aa: {  	[tilespmem:s1+$0xFFFFFFE0] =	vst v2;
	v5 =	vmin.f32 v5, $1.000000000e+00  }
0x1ab: {  	v0 =	vadd.f32 v1, v0;
	[tilespmem:s1+$0xFFFFFFF0] =	vst v5;
	v1 =	vmin.f32 v3, $1.000000000e+00  }
0x1ac: {  	[tilespmem:s1+$0x0] =	vst v1  }
0x1ad: {  	s31 =	simm.s32 $0x9F00;
	v0 =	vadd.f32 v4, v0;
	s0 =	rddreg [dreg:$0x9]  }
0x1ae: {  	[hbm4b:s0+s2] =	stream.linear.scatter [tilespmem:s31], [sflag:$0x5], $0x2700, $0x38;
	[tilespmem:$0xC700] =	vst v63  }
0x1af: {  	v0 =	vadd.f32 v2, v0;
	_ =	swait.ge [sflag:s20], $0x2700  }
.Ltmp4:
0x1b0: {  	[sflag:s20] =	ssyncset.done $0x0;
	(pc) =	sbr.rel @p0 .LBB2_7-.Ltmp4, $4  }
0x1b1: {  	v0 =	vadd.f32 v5, v0;
	[sflag:s20] =	ssyncadd.s32 $0xFFFFD900  }
0x1b2: {  	_ =	swait.ge [sflag:s21], $0x100  }
0x1b3: {  	v0 =	vadd.f32 v1, v0;
	[sflag:s21] =	ssyncset.done $0x0  }
0x1b4: {  	[sflag:s21] =	ssyncadd.s32 $0xFFFFFF00  }
0x1b5: {  	v1 =	vld [tilespmem:$0x9E00]  }
0x1b6: {  	v2 =	vld [tilespmem:$0x9E80];
	_ =	sdelay $0x6  }
0x1b7: {  	v1 =	vld.idx.msk [tilespmem:v1+s2+$0x0], $0xffff  }
0x1b8: {  	v2 =	vld.idx.msk [tilespmem:v2+s12+$0x0], $0xffff;
	_ =	sdelay $0x3  }
0x1b9: {  	v3 =	vld [tilespmem:$0x9E10]  }
0x1ba: {  	v33 =	vld [tilespmem:$0x9E90];
	v1 =	vadd.f32 v2, v1;
	_ =	sdelay $0x1  }
0x1bb: {  	v1 =	vsub.f32 $0.0e+00, v1;
	_ =	sdelay $0x1  }
0x1bc: {  	v1 =	vmul.f32 $1.442695020e+00, v1;
	_ =	sdelay $0x1  }
0x1bd: {  	(erf) = vpow2.f32 v1  }
0x1be: {  	v34 =	vld.idx.msk [tilespmem:v3+s2+$0x0], $0xffff  }
0x1bf: {  	v2 =	vld.idx.msk [tilespmem:v33+s12+$0x0], $0xffff;
	_ =	sdelay $0x3  }
0x1c0: {  	v35 =	vld [tilespmem:$0x9E20]  }
0x1c1: {  	v36 =	vld [tilespmem:$0x9EA0];
	v1 =	vadd.f32 v2, v34;
	_ =	sdelay $0x1  }
0x1c2: {  	v1 =	vsub.f32 $0.0e+00, v1;
	v4 =	vpop (erf)  }
0x1c3: {  	v4 =	vadd.f32 $1.000000000e+00, v4  }
0x1c4: {  	v1 =	vmul.f32 $1.442695020e+00, v1  }
0x1c5: {  	(erf) = vrcp.f32 v4  }
0x1c6: {  	(erf) = vpow2.f32 v1  }
0x1c7: {  	v37 =	vld.idx.msk [tilespmem:v35+s2+$0x0], $0xffff  }
0x1c8: {  	v2 =	vld.idx.msk [tilespmem:v36+s12+$0x0], $0xffff;
	_ =	sdelay $0x3  }
0x1c9: {  	v38 =	vld [tilespmem:$0x9E30]  }
0x1ca: {  	v39 =	vld [tilespmem:$0x9EB0];
	v1 =	vadd.f32 v2, v37  }
0x1cb: {  	v4 =	vpop (erf)  }
0x1cc: {  	v1 =	vsub.f32 $0.0e+00, v1;
	v5 =	vpop (erf)  }
0x1cd: {  	v5 =	vadd.f32 $1.000000000e+00, v5  }
0x1ce: {  	v1 =	vmul.f32 $1.442695020e+00, v1  }
0x1cf: {  	(erf) = vrcp.f32 v5  }
0x1d0: {  	(erf) = vpow2.f32 v1  }
0x1d1: {  	v40 =	vld.idx.msk [tilespmem:v38+s2+$0x0], $0xffff  }
0x1d2: {  	v2 =	vld.idx.msk [tilespmem:v39+s12+$0x0], $0xffff;
	_ =	sdelay $0x3  }
0x1d3: {  	v41 =	vld [tilespmem:$0x9E40]  }
0x1d4: {  	v42 =	vld [tilespmem:$0x9EC0];
	v1 =	vadd.f32 v2, v40  }
0x1d5: {  	v5 =	vpop (erf)  }
0x1d6: {  	v1 =	vsub.f32 $0.0e+00, v1;
	v6 =	vpop (erf)  }
0x1d7: {  	v6 =	vadd.f32 $1.000000000e+00, v6  }
0x1d8: {  	v1 =	vmul.f32 $1.442695020e+00, v1  }
0x1d9: {  	(erf) = vrcp.f32 v6  }
0x1da: {  	(erf) = vpow2.f32 v1  }
0x1db: {  	v43 =	vld.idx.msk [tilespmem:v41+s2+$0x0], $0xffff  }
0x1dc: {  	v2 =	vld.idx.msk [tilespmem:v42+s12+$0x0], $0xffff;
	_ =	sdelay $0x3  }
0x1dd: {  	v44 =	vld [tilespmem:$0x9E50]  }
0x1de: {  	v45 =	vld [tilespmem:$0x9ED0];
	v1 =	vadd.f32 v2, v43  }
0x1df: {  	v6 =	vpop (erf)  }
0x1e0: {  	v1 =	vsub.f32 $0.0e+00, v1;
	v7 =	vpop (erf)  }
0x1e1: {  	v7 =	vadd.f32 $1.000000000e+00, v7  }
0x1e2: {  	v1 =	vmul.f32 $1.442695020e+00, v1  }
0x1e3: {  	(erf) = vrcp.f32 v7  }
0x1e4: {  	(erf) = vpow2.f32 v1  }
0x1e5: {  	v46 =	vld.idx.msk [tilespmem:v44+s2+$0x0], $0xffff  }
0x1e6: {  	v2 =	vld.idx.msk [tilespmem:v45+s12+$0x0], $0xffff;
	_ =	sdelay $0x3  }
0x1e7: {  	v47 =	vld [tilespmem:$0x9E60]  }
0x1e8: {  	v48 =	vld [tilespmem:$0x9EE0];
	v1 =	vadd.f32 v2, v46  }
0x1e9: {  	v7 =	vpop (erf)  }
0x1ea: {  	v1 =	vsub.f32 $0.0e+00, v1;
	v8 =	vpop (erf)  }
0x1eb: {  	v8 =	vadd.f32 $1.000000000e+00, v8  }
0x1ec: {  	v1 =	vmul.f32 $1.442695020e+00, v1  }
0x1ed: {  	(erf) = vrcp.f32 v8  }
0x1ee: {  	(erf) = vpow2.f32 v1  }
0x1ef: {  	v49 =	vld.idx.msk [tilespmem:v47+s2+$0x0], $0xffff  }
0x1f0: {  	v2 =	vld.idx.msk [tilespmem:v48+s12+$0x0], $0xffff;
	_ =	sdelay $0x3  }
0x1f1: {  	v50 =	vld [tilespmem:$0x9E70]  }
0x1f2: {  	v51 =	vld [tilespmem:$0x9EF0];
	v1 =	vadd.f32 v2, v49  }
0x1f3: {  	v8 =	vpop (erf)  }
0x1f4: {  	v1 =	vsub.f32 $0.0e+00, v1;
	v9 =	vpop (erf)  }
0x1f5: {  	v9 =	vadd.f32 $1.000000000e+00, v9  }
0x1f6: {  	v1 =	vmul.f32 $1.442695020e+00, v1  }
0x1f7: {  	(erf) = vrcp.f32 v9  }
0x1f8: {  	(erf) = vpow2.f32 v1  }
0x1f9: {  	v52 =	vld.idx.msk [tilespmem:v50+s2+$0x0], $0xffff  }
0x1fa: {  	v2 =	vld.idx.msk [tilespmem:v51+s12+$0x0], $0xffff;
	_ =	sdelay $0x4  }
0x1fb: {  	v1 =	vadd.f32 v2, v52  }
0x1fc: {  	v53 =	vpop (erf)  }
0x1fd: {  	v1 =	vsub.f32 $0.0e+00, v1;
	v54 =	vpop (erf)  }
0x1fe: {  	v3 =	vadd.f32 $1.000000000e+00, v54  }
0x1ff: {  	v1 =	vmul.f32 $1.442695020e+00, v1  }
0x200: {  	(erf) = vrcp.f32 v3  }
0x201: {  	(erf) = vpow2.f32 v1;
	_ =	sdelay $0x7  }
0x202: {  	v56 =	vmul.f32 $1.009999990e+00, v4;
	v55 =	vpop (erf)  }
0x203: {  	v57 =	vpop (erf)  }
0x204: {  	v5 =	vmul.f32 $1.009999990e+00, v5;
	v3 =	vmin.f32 v56, $1.000000000e+00;
	v4 =	vadd.f32 $1.000000000e+00, v57  }
0x205: {  	v0 =	vadd.f32 v3, v0  }
0x206: {  	v58 =	vmin.f32 v5, $1.000000000e+00;
	v59 =	vmul.f32 $1.009999990e+00, v6;
	(erf) = vrcp.f32 v4  }
0x207: {  	v0 =	vadd.f32 v58, v0  }
0x208: {  	v5 =	vmin.f32 v59, $1.000000000e+00;
	v60 =	vmul.f32 $1.009999990e+00, v7  }
0x209: {  	v0 =	vadd.f32 v5, v0  }
0x20a: {  	v6 =	vmin.f32 v60, $1.000000000e+00;
	v61 =	vmul.f32 $1.009999990e+00, v8  }
0x20b: {  	v0 =	vadd.f32 v6, v0  }
0x20c: {  	v7 =	vmin.f32 v61, $1.000000000e+00;
	v2 =	vmul.f32 $1.009999990e+00, v53  }
0x20d: {  	[tilespmem:$0xC610] =	vst v58;
	v0 =	vadd.f32 v7, v0  }
0x20e: {  	[tilespmem:$0xC620] =	vst v5;
	v2 =	vmin.f32 v2, $1.000000000e+00;
	v1 =	vmul.f32 $1.009999990e+00, v55  }
0x20f: {  	[tilespmem:$0xC630] =	vst v6;
	v0 =	vadd.f32 v2, v0;
	v62 =	vpop (erf)  }
0x210: {  	[tilespmem:$0xC600] =	vst v3;
	v1 =	vmin.f32 v1, $1.000000000e+00;
	v3 =	vmul.f32 $1.009999990e+00, v62  }
0x211: {  	[tilespmem:$0xC640] =	vst v7;
	v0 =	vadd.f32 v1, v0  }
0x212: {  	[tilespmem:$0xC650] =	vst v2;
	v63 =	vmin.f32 v3, $1.000000000e+00  }
0x213: {  	[tilespmem:$0xC660] =	vst v1;
	v0 =	vadd.f32 v63, v0  }
0x214: {  	[tilespmem:$0xC670] =	vst v63  }
.Ltmp5:
0x215: {  	s0 =	rddreg [dreg:$0xa];
	s1 =	simm.s32 $0xC600;
	[tilespmem:$0xC680] =	vst v0;
	(pc) =	sbr.rel .LBB2_8-.Ltmp5, $4  }
0x216: {  	[hbm4b:s0+s2] =	stream.linear.scatter [tilespmem:s1], [sflag:$0x5], $0x80, $0x38;
	[tilespmem:$0xC700] =	vst v63  }
0x217: {  	_ =	swait.ge [sflag:s20], $0x80  }
0x218: {  	[sflag:s20] =	ssyncset.done $0x0  }
0x219: {  	[sflag:s20] =	ssyncadd.s32 $0xFFFFFF80  }
.LBB2_9:
0x21a: {  	_ =	sfence.sel $0x180000  }
0x21b: {  	[bflag:$0x0] =	sbarrier.arrive $0xFFFF  }
0x21c: {  	_ =	strace $0x90000047  }
0x21d: {  	s0 =	stileid.u32;
	[bflag:$0x2] =	sbarrier.arrive $0xFFFF  }
0x21e: {  	p0 =	sne.s32 s0, $0x0;
	s0 =	rddreg [dreg:$0x3]  }
0x21f: {  	s0 =	sadd.s32 @!p0 $0x100000, s0  }
0x220: {  	[sflag:s0] =	ssyncadd.tile.s32 @!p0 $0x1;
	_ =	shalt  }
.Lfunc_end2:
_tile_overlayer_lowered:
.L_overlay_start_2:
0x221: {  	(tag) =	ssettag $0x2  }
0x222: {  	s0 =	rddreg [dreg:$0x0];
	s2 =	stileid.u32  }
0x223: {  	s1 =	rddreg [dreg:$0x1];
	p0 =	sne.s32 s2, $0x0  }
0x224: {  	s3 =	rddreg [dreg:$0x2];
	[bflag:$0x3] =	sbarrier.arrive $0xFFFF;
	s2 =	simm.s32 @!p0 $0x1C05  }
0x225: {  	[timem:s3], [sflag:s2] =	dma.local @!p0 [hbm:s0], s1  }
0x226: {  	s0 =	simm.s32 @!p0 $0x5  }
0x227: {  	_ =	swait.ge @!p0 [sflag:s0], s1  }
0x228: {  	s1 =	ssub.s32 @!p0 $0x0, s1;
	[sflag:s0] =	ssyncset.done @!p0 $0x0  }
0x229: {  	[sflag:s0] =	ssyncadd.s32 @!p0 s1  }
0x22a: {  	[bflag:$0x3] =	sbarrier.arrive $0xFFFF  }
0x22b: {  	_ =	shalt  }

</sc_bundles>
